<compile_context>
chip_gen: v7x
topology: tpu7x:2x2x1
jax: 0.10.2.dev20260603
libtpu: 0.0.44.dev20260713+nightly
codegen_flags: <defaults>
</compile_context>

<pallas_src>
import functools

import jax
import jax.numpy as jnp
from jax import lax
from jax.experimental import pallas as pl
from jax.experimental.pallas import tpu as pltpu
from jax.experimental.pallas import tpu_sc as plsc

N_CENT = 1024
DIM = 64
N_ROWS = 9216
BLK = 512
NBLK = N_ROWS // BLK
DECAY = 0.99

SC_CORES = 2
SC_SUBCORES = 16
NW = SC_CORES * SC_SUBCORES
RPW = N_ROWS // NW
GCH = 96
NGCH = RPW // GCH
HROWS = N_ROWS // SC_SUBCORES
HCH = HROWS // GCH
EROWS = N_CENT // SC_SUBCORES


def _rowsum64(y):
    acc = y[:, 0:8]
    for t in range(1, 8):
        acc = acc + y[:, t * 8:(t + 1) * 8]
    b = acc[:, :4] + acc[:, 4:]
    c = b[:, :2] + b[:, 2:]
    return c[:, 0:1] + c[:, 1:2]


def _colsum64(y):
    acc = y[0:8, :]
    for t in range(1, 8):
        acc = acc + y[t * 8:(t + 1) * 8, :]
    b = acc[:4, :] + acc[4:, :]
    c = b[:2, :] + b[2:, :]
    return c[0:1, :] + c[1:2, :]


def _tc_body(z_ref, cbt_ref, idx_ref):
    zb = z_ref[...]
    cbt = cbt_ref[...]
    sumz = _rowsum64(zb * zb)
    sumc = _colsum64(cbt * cbt)
    m = jnp.dot(zb, cbt, preferred_element_type=jnp.float32)
    d = sumz - 2.0 * m + sumc
    dmin = jnp.min(d, axis=1, keepdims=True)
    ii = lax.broadcasted_iota(jnp.int32, d.shape, 1).astype(jnp.float32)
    idxf = jnp.min(jnp.where(d == dmin, ii, float(N_CENT)), axis=1)
    idx_ref[...] = idxf.astype(jnp.int32)


def _tc_argmin(flat, cbt):
    return pl.pallas_call(
        _tc_body,
        grid=(NBLK,),
        in_specs=[
            pl.BlockSpec((BLK, DIM), lambda i: (i, 0)),
            pl.BlockSpec((DIM, N_CENT), lambda i: (0, 0)),
        ],
        out_specs=pl.BlockSpec((BLK,), lambda i: (i,)),
        out_shape=jax.ShapeDtypeStruct((N_ROWS,), jnp.int32),
    )(flat, cbt)


@functools.partial(
    pl.kernel,
    out_type=[
        jax.ShapeDtypeStruct((16, 576, 128), jnp.float32),
        jax.ShapeDtypeStruct((N_CENT,), jnp.float32),
    ],
    mesh=plsc.VectorSubcoreMesh(core_axis_name="c", subcore_axis_name="s"),
    compiler_params=pltpu.CompilerParams(use_tc_tiling_on_sc=False),
    scratch_types=[
        pltpu.VMEM((RPW,), jnp.int32),
        pltpu.VMEM((RPW, 128), jnp.float32),
        pltpu.VMEM((GCH, 16), jnp.float32),
        pltpu.VMEM((HROWS,), jnp.int32),
        pltpu.VMEM((EROWS, 16), jnp.float32),
        pltpu.VMEM((EROWS, 16), jnp.float32),
        pltpu.VMEM((EROWS,), jnp.float32),
        pltpu.VMEM((EROWS,), jnp.float32),
        pltpu.VMEM_SHARED((N_CENT, 16), jnp.float32),
        pltpu.SemaphoreType.DMA,
    ],
)
def _sc_quantize(idx_hbm, cb_hbm, cc_hbm, ones_hbm, zeros_hbm,
                 q_hbm, counts_hbm,
                 idx3_v, rows_v, ones_v, idx2_v, z_v, hv, cc_v, outc_v,
                 hist_sh, sem):
    cid = lax.axis_index("c")
    sid = lax.axis_index("s")
    wid = sid * SC_CORES + cid
    base = wid * RPW

    pltpu.sync_copy(idx_hbm.at[pl.ds(base, RPW)], idx3_v)
    cps = []
    for j in range(NGCH):
        cps.append(pltpu.async_copy(
            cb_hbm.at[idx3_v.at[pl.ds(j * GCH, GCH)]],
            rows_v.at[pl.ds(j * GCH, GCH)], sem))

    @pl.when(cid == 0)
    def _hist():
        pltpu.sync_copy(zeros_hbm, z_v)
        pltpu.sync_copy(z_v, hist_sh.at[pl.ds(sid * EROWS, EROWS)])
        pltpu.sync_copy(ones_hbm, ones_v)
        pltpu.sync_copy(idx_hbm.at[pl.ds(sid * HROWS, HROWS)], idx2_v)
        plsc.subcore_barrier()
        for j in range(HCH):
            pltpu.sync_copy(
                ones_v, hist_sh.at[idx2_v.at[pl.ds(j * GCH, GCH)]], add=True)
        plsc.subcore_barrier()
        pltpu.sync_copy(hist_sh.at[pl.ds(sid * EROWS, EROWS)], hv)
        pltpu.sync_copy(cc_hbm.at[pl.ds(sid * EROWS, EROWS)], cc_v)
        lane = lax.iota(jnp.int32, 16)
        for k in range(EROWS // 16):
            acc = jnp.zeros((16,), jnp.float32)
            for r in range(16):
                row = hv[16 * k + r, :]
                acc = jnp.where(lane == r, row, acc)
            cc16 = cc_v[pl.ds(16 * k, 16)]
            outc_v[pl.ds(16 * k, 16)] = DECAY * cc16 + (1.0 - DECAY) * acc
        pltpu.sync_copy(outc_v, counts_hbm.at[pl.ds(sid * EROWS, EROWS)])

    for cp in cps:
        cp.wait()
    b = wid // 2
    off = (wid % 2) * RPW
    pltpu.sync_copy(rows_v, q_hbm.at[b, pl.ds(off, RPW)])


def kernel(z, codebook, cluster_counts):
    flat = z.reshape(N_ROWS, DIM)
    cbt = codebook.T
    idx1d = _tc_argmin(flat, cbt)
    cb_pad = jnp.pad(codebook, ((0, 0), (0, 128 - DIM)))
    ones = jnp.ones((GCH, 16), jnp.float32)
    zeros = jnp.zeros((EROWS, 16), jnp.float32)
    q, new_counts = _sc_quantize(
        idx1d, cb_pad, cluster_counts, ones, zeros)
    qq = q[:, :, :DIM]
    return qq, new_counts, qq

# --- scband reference (transcript-rebuilt; emitter-appended) ---
"""Pipeline reference for scband-base-quantizer-44530220925009 (READ-ONLY COPY).

The authoritative reference and input builder live on the scoring server;
editing this copy changes nothing except your own understanding.
"""

import jax, jax.numpy as jnp
import numpy as np

NUM_CENTROIDS = 1024
EMA_DECAY = 0.99
INIT_SCALE = 0.1
STOP_GRADIENT_CODES = True


def setup_inputs(seed: int = 0) -> dict:
    key = jax.random.key(seed)
    k1, k2 = jax.random.split(key)
    z = jax.random.normal(k1, (16, 576, 64), dtype=jnp.float32)
    embedding_dim = 64
    # variance_scaling(init_scale, 'fan_avg', 'normal') initializer
    fan_avg = (NUM_CENTROIDS + embedding_dim) / 2.0
    std = np.sqrt(INIT_SCALE / fan_avg).astype(np.float32)
    codebook = jax.random.normal(k2, (NUM_CENTROIDS, embedding_dim), dtype=jnp.float32) * std
    cluster_counts = jnp.ones((NUM_CENTROIDS,), dtype=jnp.float32)
    return {"z": z, "codebook": codebook, "cluster_counts": cluster_counts}


def reference(z, codebook, cluster_counts):
    # Flatten leading dims as in ProductQuantizer usage of BaseQuantizer
    flat_inputs = z.reshape(-1, z.shape[-1])
    # Nearest-centroid encoding (canonical VQ subclass behavior)
    distances = (
        jnp.sum(flat_inputs ** 2, axis=1, keepdims=True)
        - 2.0 * flat_inputs @ codebook.T
        + jnp.sum(codebook ** 2, axis=1)[None, :]
    )
    idx = jnp.argmin(distances, axis=-1)
    encodings = jax.nn.one_hot(idx, NUM_CENTROIDS, dtype=flat_inputs.dtype)
    # update_cluster_counts: sum over all leading axes, then EMA update (train=True)
    counts = jnp.sum(encodings, axis=0)
    new_cluster_counts = EMA_DECAY * cluster_counts + (1.0 - EMA_DECAY) * counts
    # Quantize via codebook gather + straight-through estimator
    q = jnp.take(codebook, idx, axis=0)
    quantized = flat_inputs + jax.lax.stop_gradient(q - flat_inputs)
    quantized = quantized.reshape(z.shape)
    # stop_gradient_codes: protect codes from downstream losses
    codes = jax.lax.stop_gradient(quantized) if STOP_GRADIENT_CODES else quantized
    return quantized, new_cluster_counts, codes

if __name__ == "__main__":
    import jax
    _d = setup_inputs()
    print(jax.jit(kernel)(*tuple(_d.values())))

</pallas_src>

<mosaic_0001>
#map = affine_map<(d0, d1) -> (0)>
#map1 = affine_map<(d0, d1) -> (0, 0)>
#map2 = affine_map<(d0, d1) -> (0, 0, 0)>
module attributes {stable_mosaic.version = 14 : i64} {
  func.func @_sc_quantize(%arg0: i32, %arg1: i32, %arg2: memref<9216xi32, #tpu.memory_space<hbm>>, %arg3: memref<1024x128xf32, #tpu.memory_space<hbm>>, %arg4: memref<1024xf32, #tpu.memory_space<hbm>>, %arg5: memref<96x16xf32, #tpu.memory_space<hbm>>, %arg6: memref<64x16xf32, #tpu.memory_space<hbm>>, %arg7: memref<16x576x128xf32, #tpu.memory_space<hbm>>, %arg8: memref<1024xf32, #tpu.memory_space<hbm>>, %arg9: memref<288xi32, #tpu.memory_space<vmem>>, %arg10: memref<288x128xf32, #tpu.memory_space<vmem>>, %arg11: memref<96x16xf32, #tpu.memory_space<vmem>>, %arg12: memref<576xi32, #tpu.memory_space<vmem>>, %arg13: memref<64x16xf32, #tpu.memory_space<vmem>>, %arg14: memref<64x16xf32, #tpu.memory_space<vmem>>, %arg15: memref<64xf32, #tpu.memory_space<vmem>>, %arg16: memref<64xf32, #tpu.memory_space<vmem>>, %arg17: memref<1024x16xf32, #tpu.memory_space<vmem_shared>>, %arg18: memref<!tpu.dma_semaphore, #tpu.memory_space<semaphore_mem>>) attributes {dimension_semantics = [#tpu.dimension_semantics<core_parallel>, #tpu.dimension_semantics<subcore_parallel>], iteration_bounds = array<i64: 2, 16>, scalar_prefetch = 0 : i64, scratch_operands = 10 : i64, tpu.core_type = #tpu.core_type<sc_vector_subcore>, window_params = [{transform_indices = #map}, {transform_indices = #map1}, {transform_indices = #map}, {transform_indices = #map1}, {transform_indices = #map1}, {transform_indices = #map2}, {transform_indices = #map}]} {
    %mul3A = arith.constant 2 : i32
    %mul3A_0 = arith.muli %arg1, %mul3A : i32
    %add3A = arith.addi %mul3A_0, %arg0 : i32
    %mul3A_1 = arith.constant 288 : i32
    %mul3A_2 = arith.muli %add3A, %mul3A_1 : i32
    "tpu.region"() ({
      %run_scoped3A = tpu.sem_alloc : memref<!tpu.dma_semaphore, #tpu.memory_space<semaphore_mem>>
      %dma_start3A_84 = tpu.memref_slice %arg2[%mul3A_2] : memref<9216xi32, #tpu.memory_space<hbm>> -> memref<288xi32, #tpu.memory_space<hbm>>
      %dma_start3A_85 = tpu.memref_slice %arg2[%mul3A_2] : memref<9216xi32, #tpu.memory_space<hbm>> -> memref<288xi32, #tpu.memory_space<hbm>>
      tpu.enqueue_dma source(%dma_start3A_85 : memref<288xi32, #tpu.memory_space<hbm>>) target(%arg9 : memref<288xi32, #tpu.memory_space<vmem>>) target_semaphore(%run_scoped3A : memref<!tpu.dma_semaphore, #tpu.memory_space<semaphore_mem>>)
      %dma_wait3A_86 = tpu.memref_slice %arg2[%mul3A_2] : memref<9216xi32, #tpu.memory_space<hbm>> -> memref<288xi32, #tpu.memory_space<hbm>>
      %dma_wait3A_87 = tpu.memref_slice %arg2[%mul3A_2] : memref<9216xi32, #tpu.memory_space<hbm>> -> memref<288xi32, #tpu.memory_space<hbm>>
      tpu.wait_dma2 semaphore(%run_scoped3A : memref<!tpu.dma_semaphore, #tpu.memory_space<semaphore_mem>>) src(%dma_wait3A_87 : memref<288xi32, #tpu.memory_space<hbm>>) dst(%arg9 : memref<288xi32, #tpu.memory_space<vmem>>)
      tpu.yield
    }) : () -> ()
    %dma_start3A = arith.constant 0 : i32
    %dma_start3A_3 = arith.constant 0 : i32
    %dma_start3A_4 = tpu.memref_slice %arg10[%dma_start3A, %dma_start3A_3] : memref<288x128xf32, #tpu.memory_space<vmem>> -> memref<96x128xf32, #tpu.memory_space<vmem>>
    %dma_start3A_5 = arith.constant 0 : i32
    %dma_start3A_6 = tpu.memref_slice %arg9[%dma_start3A_5] : memref<288xi32, #tpu.memory_space<vmem>> -> memref<96xi32, #tpu.memory_space<vmem>>
    %dma_start3A_7 = arith.constant 0 : i32
    %dma_start3A_8 = arith.constant 0 : i32
    %dma_start3A_9 = tpu.memref_slice %arg3[%dma_start3A_7, %dma_start3A_8] : memref<1024x128xf32, #tpu.memory_space<hbm>> -> memref<1024x128xf32, #tpu.memory_space<hbm>>
    tpu.enqueue_indirect_dma source(%dma_start3A_9 : memref<1024x128xf32, #tpu.memory_space<hbm>>) target(%dma_start3A_4 : memref<96x128xf32, #tpu.memory_space<vmem>>) offsets(%dma_start3A_6 : memref<96xi32, #tpu.memory_space<vmem>>) semaphore(%arg18 : memref<!tpu.dma_semaphore, #tpu.memory_space<semaphore_mem>>)
    %dma_start3A_10 = arith.constant 96 : i32
    %dma_start3A_11 = arith.constant 0 : i32
    %dma_start3A_12 = tpu.memref_slice %arg10[%dma_start3A_10, %dma_start3A_11] : memref<288x128xf32, #tpu.memory_space<vmem>> -> memref<96x128xf32, #tpu.memory_space<vmem>>
    %dma_start3A_13 = arith.constant 96 : i32
    %dma_start3A_14 = tpu.memref_slice %arg9[%dma_start3A_13] : memref<288xi32, #tpu.memory_space<vmem>> -> memref<96xi32, #tpu.memory_space<vmem>>
    %dma_start3A_15 = arith.constant 0 : i32
    %dma_start3A_16 = arith.constant 0 : i32
    %dma_start3A_17 = tpu.memref_slice %arg3[%dma_start3A_15, %dma_start3A_16] : memref<1024x128xf32, #tpu.memory_space<hbm>> -> memref<1024x128xf32, #tpu.memory_space<hbm>>
    tpu.enqueue_indirect_dma source(%dma_start3A_17 : memref<1024x128xf32, #tpu.memory_space<hbm>>) target(%dma_start3A_12 : memref<96x128xf32, #tpu.memory_space<vmem>>) offsets(%dma_start3A_14 : memref<96xi32, #tpu.memory_space<vmem>>) semaphore(%arg18 : memref<!tpu.dma_semaphore, #tpu.memory_space<semaphore_mem>>)
    %dma_start3A_18 = arith.constant 192 : i32
    %dma_start3A_19 = arith.constant 0 : i32
    %dma_start3A_20 = tpu.memref_slice %arg10[%dma_start3A_18, %dma_start3A_19] : memref<288x128xf32, #tpu.memory_space<vmem>> -> memref<96x128xf32, #tpu.memory_space<vmem>>
    %dma_start3A_21 = arith.constant 192 : i32
    %dma_start3A_22 = tpu.memref_slice %arg9[%dma_start3A_21] : memref<288xi32, #tpu.memory_space<vmem>> -> memref<96xi32, #tpu.memory_space<vmem>>
    %dma_start3A_23 = arith.constant 0 : i32
    %dma_start3A_24 = arith.constant 0 : i32
    %dma_start3A_25 = tpu.memref_slice %arg3[%dma_start3A_23, %dma_start3A_24] : memref<1024x128xf32, #tpu.memory_space<hbm>> -> memref<1024x128xf32, #tpu.memory_space<hbm>>
    tpu.enqueue_indirect_dma source(%dma_start3A_25 : memref<1024x128xf32, #tpu.memory_space<hbm>>) target(%dma_start3A_20 : memref<96x128xf32, #tpu.memory_space<vmem>>) offsets(%dma_start3A_22 : memref<96xi32, #tpu.memory_space<vmem>>) semaphore(%arg18 : memref<!tpu.dma_semaphore, #tpu.memory_space<semaphore_mem>>)
    %eq3A = arith.constant 0 : i32
    %eq3A_26 = arith.cmpi eq, %arg0, %eq3A : i32
    %convert_element_type3A = arith.extui %eq3A_26 : i1 to i32
    %cond3A = arith.constant 0 : i32
    %cond3A_27 = arith.cmpi ne, %convert_element_type3A, %cond3A : i32
    scf.if %cond3A_27 {
      "tpu.region"() ({
        %run_scoped3A = tpu.sem_alloc : memref<!tpu.dma_semaphore, #tpu.memory_space<semaphore_mem>>
        tpu.enqueue_dma source(%arg6 : memref<64x16xf32, #tpu.memory_space<hbm>>) target(%arg13 : memref<64x16xf32, #tpu.memory_space<vmem>>) target_semaphore(%run_scoped3A : memref<!tpu.dma_semaphore, #tpu.memory_space<semaphore_mem>>)
        tpu.wait_dma2 semaphore(%run_scoped3A : memref<!tpu.dma_semaphore, #tpu.memory_space<semaphore_mem>>) src(%arg6 : memref<64x16xf32, #tpu.memory_space<hbm>>) dst(%arg13 : memref<64x16xf32, #tpu.memory_space<vmem>>)
        tpu.yield
      }) : () -> ()
      %mul3A_84 = arith.constant 64 : i32
      %mul3A_85 = arith.muli %arg1, %mul3A_84 : i32
      "tpu.region"() ({
        %run_scoped3A = tpu.sem_alloc : memref<!tpu.dma_semaphore, #tpu.memory_space<semaphore_mem>>
        %dma_start3A_732 = arith.constant 0 : i32
        %dma_start3A_733 = tpu.memref_slice %arg17[%mul3A_85, %dma_start3A_732] : memref<1024x16xf32, #tpu.memory_space<vmem_shared>> -> memref<64x16xf32, #tpu.memory_space<vmem_shared>>
        %dma_start3A_734 = arith.constant 0 : i32
        %dma_start3A_735 = tpu.memref_slice %arg17[%mul3A_85, %dma_start3A_734] : memref<1024x16xf32, #tpu.memory_space<vmem_shared>> -> memref<64x16xf32, #tpu.memory_space<vmem_shared>>
        tpu.enqueue_dma source(%arg13 : memref<64x16xf32, #tpu.memory_space<vmem>>) target(%dma_start3A_735 : memref<64x16xf32, #tpu.memory_space<vmem_shared>>) target_semaphore(%run_scoped3A : memref<!tpu.dma_semaphore, #tpu.memory_space<semaphore_mem>>)
        %dma_wait3A_736 = arith.constant 0 : i32
        %dma_wait3A_737 = tpu.memref_slice %arg17[%mul3A_85, %dma_wait3A_736] : memref<1024x16xf32, #tpu.memory_space<vmem_shared>> -> memref<64x16xf32, #tpu.memory_space<vmem_shared>>
        %dma_wait3A_738 = arith.constant 0 : i32
        %dma_wait3A_739 = tpu.memref_slice %arg17[%mul3A_85, %dma_wait3A_738] : memref<1024x16xf32, #tpu.memory_space<vmem_shared>> -> memref<64x16xf32, #tpu.memory_space<vmem_shared>>
        tpu.wait_dma2 semaphore(%run_scoped3A : memref<!tpu.dma_semaphore, #tpu.memory_space<semaphore_mem>>) src(%arg13 : memref<64x16xf32, #tpu.memory_space<vmem>>) dst(%dma_wait3A_739 : memref<64x16xf32, #tpu.memory_space<vmem_shared>>)
        tpu.yield
      }) : () -> ()
      "tpu.region"() ({
        %run_scoped3A = tpu.sem_alloc : memref<!tpu.dma_semaphore, #tpu.memory_space<semaphore_mem>>
        tpu.enqueue_dma source(%arg5 : memref<96x16xf32, #tpu.memory_space<hbm>>) target(%arg11 : memref<96x16xf32, #tpu.memory_space<vmem>>) target_semaphore(%run_scoped3A : memref<!tpu.dma_semaphore, #tpu.memory_space<semaphore_mem>>)
        tpu.wait_dma2 semaphore(%run_scoped3A : memref<!tpu.dma_semaphore, #tpu.memory_space<semaphore_mem>>) src(%arg5 : memref<96x16xf32, #tpu.memory_space<hbm>>) dst(%arg11 : memref<96x16xf32, #tpu.memory_space<vmem>>)
        tpu.yield
      }) : () -> ()
      %mul3A_86 = arith.constant 576 : i32
      %mul3A_87 = arith.muli %arg1, %mul3A_86 : i32
      "tpu.region"() ({
        %run_scoped3A = tpu.sem_alloc : memref<!tpu.dma_semaphore, #tpu.memory_space<semaphore_mem>>
        %dma_start3A_732 = tpu.memref_slice %arg2[%mul3A_87] : memref<9216xi32, #tpu.memory_space<hbm>> -> memref<576xi32, #tpu.memory_space<hbm>>
        %dma_start3A_733 = tpu.memref_slice %arg2[%mul3A_87] : memref<9216xi32, #tpu.memory_space<hbm>> -> memref<576xi32, #tpu.memory_space<hbm>>
        tpu.enqueue_dma source(%dma_start3A_733 : memref<576xi32, #tpu.memory_space<hbm>>) target(%arg12 : memref<576xi32, #tpu.memory_space<vmem>>) target_semaphore(%run_scoped3A : memref<!tpu.dma_semaphore, #tpu.memory_space<semaphore_mem>>)
        %dma_wait3A_734 = tpu.memref_slice %arg2[%mul3A_87] : memref<9216xi32, #tpu.memory_space<hbm>> -> memref<576xi32, #tpu.memory_space<hbm>>
        %dma_wait3A_735 = tpu.memref_slice %arg2[%mul3A_87] : memref<9216xi32, #tpu.memory_space<hbm>> -> memref<576xi32, #tpu.memory_space<hbm>>
        tpu.wait_dma2 semaphore(%run_scoped3A : memref<!tpu.dma_semaphore, #tpu.memory_space<semaphore_mem>>) src(%dma_wait3A_735 : memref<576xi32, #tpu.memory_space<hbm>>) dst(%arg12 : memref<576xi32, #tpu.memory_space<vmem>>)
        tpu.yield
      }) : () -> ()
      %barrier3A = arith.constant 0 : index
      tpu.barrier barrier_id(%barrier3A)
      "tpu.region"() ({
        %run_scoped3A = tpu.sem_alloc : memref<!tpu.dma_semaphore, #tpu.memory_space<semaphore_mem>>
        %dma_start3A_732 = arith.constant 0 : i32
        %dma_start3A_733 = tpu.memref_slice %arg12[%dma_start3A_732] : memref<576xi32, #tpu.memory_space<vmem>> -> memref<96xi32, #tpu.memory_space<vmem>>
        %dma_start3A_734 = arith.constant 0 : i32
        %dma_start3A_735 = arith.constant 0 : i32
        %dma_start3A_736 = tpu.memref_slice %arg17[%dma_start3A_734, %dma_start3A_735] : memref<1024x16xf32, #tpu.memory_space<vmem_shared>> -> memref<1024x16xf32, #tpu.memory_space<vmem_shared>>
        tpu.enqueue_indirect_dma source(%arg11 : memref<96x16xf32, #tpu.memory_space<vmem>>) target(%dma_start3A_736 : memref<1024x16xf32, #tpu.memory_space<vmem_shared>>) offsets(%dma_start3A_733 : memref<96xi32, #tpu.memory_space<vmem>>) semaphore(%run_scoped3A : memref<!tpu.dma_semaphore, #tpu.memory_space<semaphore_mem>>) {add = true}
        %dma_wait3A_737 = arith.constant 0 : i32
        %dma_wait3A_738 = tpu.memref_slice %arg12[%dma_wait3A_737] : memref<576xi32, #tpu.memory_space<vmem>> -> memref<96xi32, #tpu.memory_space<vmem>>
        %dma_wait3A_739 = arith.constant 0 : i32
        %dma_wait3A_740 = arith.constant 0 : i32
        %dma_wait3A_741 = tpu.memref_slice %arg17[%dma_wait3A_739, %dma_wait3A_740] : memref<1024x16xf32, #tpu.memory_space<vmem_shared>> -> memref<1024x16xf32, #tpu.memory_space<vmem_shared>>
        tpu.wait_indirect_dma semaphore(%run_scoped3A : memref<!tpu.dma_semaphore, #tpu.memory_space<semaphore_mem>>) src(%arg11 : memref<96x16xf32, #tpu.memory_space<vmem>>) dst(%dma_wait3A_741 : memref<1024x16xf32, #tpu.memory_space<vmem_shared>>)
        tpu.yield
      }) : () -> ()
      "tpu.region"() ({
        %run_scoped3A = tpu.sem_alloc : memref<!tpu.dma_semaphore, #tpu.memory_space<semaphore_mem>>
        %dma_start3A_732 = arith.constant 96 : i32
        %dma_start3A_733 = tpu.memref_slice %arg12[%dma_start3A_732] : memref<576xi32, #tpu.memory_space<vmem>> -> memref<96xi32, #tpu.memory_space<vmem>>
        %dma_start3A_734 = arith.constant 0 : i32
        %dma_start3A_735 = arith.constant 0 : i32
        %dma_start3A_736 = tpu.memref_slice %arg17[%dma_start3A_734, %dma_start3A_735] : memref<1024x16xf32, #tpu.memory_space<vmem_shared>> -> memref<1024x16xf32, #tpu.memory_space<vmem_shared>>
        tpu.enqueue_indirect_dma source(%arg11 : memref<96x16xf32, #tpu.memory_space<vmem>>) target(%dma_start3A_736 : memref<1024x16xf32, #tpu.memory_space<vmem_shared>>) offsets(%dma_start3A_733 : memref<96xi32, #tpu.memory_space<vmem>>) semaphore(%run_scoped3A : memref<!tpu.dma_semaphore, #tpu.memory_space<semaphore_mem>>) {add = true}
        %dma_wait3A_737 = arith.constant 96 : i32
        %dma_wait3A_738 = tpu.memref_slice %arg12[%dma_wait3A_737] : memref<576xi32, #tpu.memory_space<vmem>> -> memref<96xi32, #tpu.memory_space<vmem>>
        %dma_wait3A_739 = arith.constant 0 : i32
        %dma_wait3A_740 = arith.constant 0 : i32
        %dma_wait3A_741 = tpu.memref_slice %arg17[%dma_wait3A_739, %dma_wait3A_740] : memref<1024x16xf32, #tpu.memory_space<vmem_shared>> -> memref<1024x16xf32, #tpu.memory_space<vmem_shared>>
        tpu.wait_indirect_dma semaphore(%run_scoped3A : memref<!tpu.dma_semaphore, #tpu.memory_space<semaphore_mem>>) src(%arg11 : memref<96x16xf32, #tpu.memory_space<vmem>>) dst(%dma_wait3A_741 : memref<1024x16xf32, #tpu.memory_space<vmem_shared>>)
        tpu.yield
      }) : () -> ()
      "tpu.region"() ({
        %run_scoped3A = tpu.sem_alloc : memref<!tpu.dma_semaphore, #tpu.memory_space<semaphore_mem>>
        %dma_start3A_732 = arith.constant 192 : i32
        %dma_start3A_733 = tpu.memref_slice %arg12[%dma_start3A_732] : memref<576xi32, #tpu.memory_space<vmem>> -> memref<96xi32, #tpu.memory_space<vmem>>
        %dma_start3A_734 = arith.constant 0 : i32
        %dma_start3A_735 = arith.constant 0 : i32
        %dma_start3A_736 = tpu.memref_slice %arg17[%dma_start3A_734, %dma_start3A_735] : memref<1024x16xf32, #tpu.memory_space<vmem_shared>> -> memref<1024x16xf32, #tpu.memory_space<vmem_shared>>
        tpu.enqueue_indirect_dma source(%arg11 : memref<96x16xf32, #tpu.memory_space<vmem>>) target(%dma_start3A_736 : memref<1024x16xf32, #tpu.memory_space<vmem_shared>>) offsets(%dma_start3A_733 : memref<96xi32, #tpu.memory_space<vmem>>) semaphore(%run_scoped3A : memref<!tpu.dma_semaphore, #tpu.memory_space<semaphore_mem>>) {add = true}
        %dma_wait3A_737 = arith.constant 192 : i32
        %dma_wait3A_738 = tpu.memref_slice %arg12[%dma_wait3A_737] : memref<576xi32, #tpu.memory_space<vmem>> -> memref<96xi32, #tpu.memory_space<vmem>>
        %dma_wait3A_739 = arith.constant 0 : i32
        %dma_wait3A_740 = arith.constant 0 : i32
        %dma_wait3A_741 = tpu.memref_slice %arg17[%dma_wait3A_739, %dma_wait3A_740] : memref<1024x16xf32, #tpu.memory_space<vmem_shared>> -> memref<1024x16xf32, #tpu.memory_space<vmem_shared>>
        tpu.wait_indirect_dma semaphore(%run_scoped3A : memref<!tpu.dma_semaphore, #tpu.memory_space<semaphore_mem>>) src(%arg11 : memref<96x16xf32, #tpu.memory_space<vmem>>) dst(%dma_wait3A_741 : memref<1024x16xf32, #tpu.memory_space<vmem_shared>>)
        tpu.yield
      }) : () -> ()
      "tpu.region"() ({
        %run_scoped3A = tpu.sem_alloc : memref<!tpu.dma_semaphore, #tpu.memory_space<semaphore_mem>>
        %dma_start3A_732 = arith.constant 288 : i32
        %dma_start3A_733 = tpu.memref_slice %arg12[%dma_start3A_732] : memref<576xi32, #tpu.memory_space<vmem>> -> memref<96xi32, #tpu.memory_space<vmem>>
        %dma_start3A_734 = arith.constant 0 : i32
        %dma_start3A_735 = arith.constant 0 : i32
        %dma_start3A_736 = tpu.memref_slice %arg17[%dma_start3A_734, %dma_start3A_735] : memref<1024x16xf32, #tpu.memory_space<vmem_shared>> -> memref<1024x16xf32, #tpu.memory_space<vmem_shared>>
        tpu.enqueue_indirect_dma source(%arg11 : memref<96x16xf32, #tpu.memory_space<vmem>>) target(%dma_start3A_736 : memref<1024x16xf32, #tpu.memory_space<vmem_shared>>) offsets(%dma_start3A_733 : memref<96xi32, #tpu.memory_space<vmem>>) semaphore(%run_scoped3A : memref<!tpu.dma_semaphore, #tpu.memory_space<semaphore_mem>>) {add = true}
        %dma_wait3A_737 = arith.constant 288 : i32
        %dma_wait3A_738 = tpu.memref_slice %arg12[%dma_wait3A_737] : memref<576xi32, #tpu.memory_space<vmem>> -> memref<96xi32, #tpu.memory_space<vmem>>
        %dma_wait3A_739 = arith.constant 0 : i32
        %dma_wait3A_740 = arith.constant 0 : i32
        %dma_wait3A_741 = tpu.memref_slice %arg17[%dma_wait3A_739, %dma_wait3A_740] : memref<1024x16xf32, #tpu.memory_space<vmem_shared>> -> memref<1024x16xf32, #tpu.memory_space<vmem_shared>>
        tpu.wait_indirect_dma semaphore(%run_scoped3A : memref<!tpu.dma_semaphore, #tpu.memory_space<semaphore_mem>>) src(%arg11 : memref<96x16xf32, #tpu.memory_space<vmem>>) dst(%dma_wait3A_741 : memref<1024x16xf32, #tpu.memory_space<vmem_shared>>)
        tpu.yield
      }) : () -> ()
      "tpu.region"() ({
        %run_scoped3A = tpu.sem_alloc : memref<!tpu.dma_semaphore, #tpu.memory_space<semaphore_mem>>
        %dma_start3A_732 = arith.constant 384 : i32
        %dma_start3A_733 = tpu.memref_slice %arg12[%dma_start3A_732] : memref<576xi32, #tpu.memory_space<vmem>> -> memref<96xi32, #tpu.memory_space<vmem>>
        %dma_start3A_734 = arith.constant 0 : i32
        %dma_start3A_735 = arith.constant 0 : i32
        %dma_start3A_736 = tpu.memref_slice %arg17[%dma_start3A_734, %dma_start3A_735] : memref<1024x16xf32, #tpu.memory_space<vmem_shared>> -> memref<1024x16xf32, #tpu.memory_space<vmem_shared>>
        tpu.enqueue_indirect_dma source(%arg11 : memref<96x16xf32, #tpu.memory_space<vmem>>) target(%dma_start3A_736 : memref<1024x16xf32, #tpu.memory_space<vmem_shared>>) offsets(%dma_start3A_733 : memref<96xi32, #tpu.memory_space<vmem>>) semaphore(%run_scoped3A : memref<!tpu.dma_semaphore, #tpu.memory_space<semaphore_mem>>) {add = true}
        %dma_wait3A_737 = arith.constant 384 : i32
        %dma_wait3A_738 = tpu.memref_slice %arg12[%dma_wait3A_737] : memref<576xi32, #tpu.memory_space<vmem>> -> memref<96xi32, #tpu.memory_space<vmem>>
        %dma_wait3A_739 = arith.constant 0 : i32
        %dma_wait3A_740 = arith.constant 0 : i32
        %dma_wait3A_741 = tpu.memref_slice %arg17[%dma_wait3A_739, %dma_wait3A_740] : memref<1024x16xf32, #tpu.memory_space<vmem_shared>> -> memref<1024x16xf32, #tpu.memory_space<vmem_shared>>
        tpu.wait_indirect_dma semaphore(%run_scoped3A : memref<!tpu.dma_semaphore, #tpu.memory_space<semaphore_mem>>) src(%arg11 : memref<96x16xf32, #tpu.memory_space<vmem>>) dst(%dma_wait3A_741 : memref<1024x16xf32, #tpu.memory_space<vmem_shared>>)
        tpu.yield
      }) : () -> ()
      "tpu.region"() ({
        %run_scoped3A = tpu.sem_alloc : memref<!tpu.dma_semaphore, #tpu.memory_space<semaphore_mem>>
        %dma_start3A_732 = arith.constant 480 : i32
        %dma_start3A_733 = tpu.memref_slice %arg12[%dma_start3A_732] : memref<576xi32, #tpu.memory_space<vmem>> -> memref<96xi32, #tpu.memory_space<vmem>>
        %dma_start3A_734 = arith.constant 0 : i32
        %dma_start3A_735 = arith.constant 0 : i32
        %dma_start3A_736 = tpu.memref_slice %arg17[%dma_start3A_734, %dma_start3A_735] : memref<1024x16xf32, #tpu.memory_space<vmem_shared>> -> memref<1024x16xf32, #tpu.memory_space<vmem_shared>>
        tpu.enqueue_indirect_dma source(%arg11 : memref<96x16xf32, #tpu.memory_space<vmem>>) target(%dma_start3A_736 : memref<1024x16xf32, #tpu.memory_space<vmem_shared>>) offsets(%dma_start3A_733 : memref<96xi32, #tpu.memory_space<vmem>>) semaphore(%run_scoped3A : memref<!tpu.dma_semaphore, #tpu.memory_space<semaphore_mem>>) {add = true}
        %dma_wait3A_737 = arith.constant 480 : i32
        %dma_wait3A_738 = tpu.memref_slice %arg12[%dma_wait3A_737] : memref<576xi32, #tpu.memory_space<vmem>> -> memref<96xi32, #tpu.memory_space<vmem>>
        %dma_wait3A_739 = arith.constant 0 : i32
        %dma_wait3A_740 = arith.constant 0 : i32
        %dma_wait3A_741 = tpu.memref_slice %arg17[%dma_wait3A_739, %dma_wait3A_740] : memref<1024x16xf32, #tpu.memory_space<vmem_shared>> -> memref<1024x16xf32, #tpu.memory_space<vmem_shared>>
        tpu.wait_indirect_dma semaphore(%run_scoped3A : memref<!tpu.dma_semaphore, #tpu.memory_space<semaphore_mem>>) src(%arg11 : memref<96x16xf32, #tpu.memory_space<vmem>>) dst(%dma_wait3A_741 : memref<1024x16xf32, #tpu.memory_space<vmem_shared>>)
        tpu.yield
      }) : () -> ()
      %barrier3A_88 = arith.constant 0 : index
      tpu.barrier barrier_id(%barrier3A_88)
      %mul3A_89 = arith.constant 64 : i32
      %mul3A_90 = arith.muli %arg1, %mul3A_89 : i32
      "tpu.region"() ({
        %run_scoped3A = tpu.sem_alloc : memref<!tpu.dma_semaphore, #tpu.memory_space<semaphore_mem>>
        %dma_start3A_732 = arith.constant 0 : i32
        %dma_start3A_733 = tpu.memref_slice %arg17[%mul3A_90, %dma_start3A_732] : memref<1024x16xf32, #tpu.memory_space<vmem_shared>> -> memref<64x16xf32, #tpu.memory_space<vmem_shared>>
        %dma_start3A_734 = arith.constant 0 : i32
        %dma_start3A_735 = tpu.memref_slice %arg17[%mul3A_90, %dma_start3A_734] : memref<1024x16xf32, #tpu.memory_space<vmem_shared>> -> memref<64x16xf32, #tpu.memory_space<vmem_shared>>
        tpu.enqueue_dma source(%dma_start3A_735 : memref<64x16xf32, #tpu.memory_space<vmem_shared>>) target(%arg14 : memref<64x16xf32, #tpu.memory_space<vmem>>) target_semaphore(%run_scoped3A : memref<!tpu.dma_semaphore, #tpu.memory_space<semaphore_mem>>)
        %dma_wait3A_736 = arith.constant 0 : i32
        %dma_wait3A_737 = tpu.memref_slice %arg17[%mul3A_90, %dma_wait3A_736] : memref<1024x16xf32, #tpu.memory_space<vmem_shared>> -> memref<64x16xf32, #tpu.memory_space<vmem_shared>>
        %dma_wait3A_738 = arith.constant 0 : i32
        %dma_wait3A_739 = tpu.memref_slice %arg17[%mul3A_90, %dma_wait3A_738] : memref<1024x16xf32, #tpu.memory_space<vmem_shared>> -> memref<64x16xf32, #tpu.memory_space<vmem_shared>>
        tpu.wait_dma2 semaphore(%run_scoped3A : memref<!tpu.dma_semaphore, #tpu.memory_space<semaphore_mem>>) src(%dma_wait3A_739 : memref<64x16xf32, #tpu.memory_space<vmem_shared>>) dst(%arg14 : memref<64x16xf32, #tpu.memory_space<vmem>>)
        tpu.yield
      }) : () -> ()
      %mul3A_91 = arith.constant 64 : i32
      %mul3A_92 = arith.muli %arg1, %mul3A_91 : i32
      "tpu.region"() ({
        %run_scoped3A = tpu.sem_alloc : memref<!tpu.dma_semaphore, #tpu.memory_space<semaphore_mem>>
        %dma_start3A_732 = tpu.memref_slice %arg4[%mul3A_92] : memref<1024xf32, #tpu.memory_space<hbm>> -> memref<64xf32, #tpu.memory_space<hbm>>
        %dma_start3A_733 = tpu.memref_slice %arg4[%mul3A_92] : memref<1024xf32, #tpu.memory_space<hbm>> -> memref<64xf32, #tpu.memory_space<hbm>>
        tpu.enqueue_dma source(%dma_start3A_733 : memref<64xf32, #tpu.memory_space<hbm>>) target(%arg15 : memref<64xf32, #tpu.memory_space<vmem>>) target_semaphore(%run_scoped3A : memref<!tpu.dma_semaphore, #tpu.memory_space<semaphore_mem>>)
        %dma_wait3A_734 = tpu.memref_slice %arg4[%mul3A_92] : memref<1024xf32, #tpu.memory_space<hbm>> -> memref<64xf32, #tpu.memory_space<hbm>>
        %dma_wait3A_735 = tpu.memref_slice %arg4[%mul3A_92] : memref<1024xf32, #tpu.memory_space<hbm>> -> memref<64xf32, #tpu.memory_space<hbm>>
        tpu.wait_dma2 semaphore(%run_scoped3A : memref<!tpu.dma_semaphore, #tpu.memory_space<semaphore_mem>>) src(%dma_wait3A_735 : memref<64xf32, #tpu.memory_space<hbm>>) dst(%arg15 : memref<64xf32, #tpu.memory_space<vmem>>)
        tpu.yield
      }) : () -> ()
      %iota3A = tpu.iota {dimensions = array<i32: 0>} : vector<16xi32>
      %broadcast_in_dim3A = arith.constant 0.000000e+00 : f32
      %broadcast_in_dim3A_93 = vector.broadcast %broadcast_in_dim3A : f32 to vector<16xf32>
      %get3A = arith.constant 0 : i32
      %get3A_94 = arith.index_cast %get3A : i32 to index
      %get3A_95 = arith.constant 0 : index
      %get3A_96 = tpu.vector_load %arg14[%get3A_94, %get3A_95] {strides = array<i32>} : memref<64x16xf32, #tpu.memory_space<vmem>>, vector<1x16xf32>,
      %get3A_97 = vector.shape_cast %get3A_96 : vector<1x16xf32> to vector<16xf32>
      %eq3A_98 = arith.constant 0 : i32
      %eq3A_99 = vector.broadcast %eq3A_98 : i32 to vector<16xi32>
      %eq3A_100 = arith.cmpi eq, %iota3A, %eq3A_99 : vector<16xi32>
      %select_n3A_101 = arith.select %eq3A_100, %get3A_97, %broadcast_in_dim3A_93 : vector<16xi1>, vector<16xf32>
      %get3A_102 = arith.constant 1 : i32
      %get3A_103 = arith.index_cast %get3A_102 : i32 to index
      %get3A_104 = arith.constant 0 : index
      %get3A_105 = tpu.vector_load %arg14[%get3A_103, %get3A_104] {strides = array<i32>} : memref<64x16xf32, #tpu.memory_space<vmem>>, vector<1x16xf32>,
      %get3A_106 = vector.shape_cast %get3A_105 : vector<1x16xf32> to vector<16xf32>
      %eq3A_107 = arith.constant 1 : i32
      %eq3A_108 = vector.broadcast %eq3A_107 : i32 to vector<16xi32>
      %eq3A_109 = arith.cmpi eq, %iota3A, %eq3A_108 : vector<16xi32>
      %select_n3A_110 = arith.select %eq3A_109, %get3A_106, %select_n3A_101 : vector<16xi1>, vector<16xf32>
      %get3A_111 = arith.constant 2 : i32
      %get3A_112 = arith.index_cast %get3A_111 : i32 to index
      %get3A_113 = arith.constant 0 : index
      %get3A_114 = tpu.vector_load %arg14[%get3A_112, %get3A_113] {strides = array<i32>} : memref<64x16xf32, #tpu.memory_space<vmem>>, vector<1x16xf32>,
      %get3A_115 = vector.shape_cast %get3A_114 : vector<1x16xf32> to vector<16xf32>
      %eq3A_116 = arith.constant 2 : i32
      %eq3A_117 = vector.broadcast %eq3A_116 : i32 to vector<16xi32>
      %eq3A_118 = arith.cmpi eq, %iota3A, %eq3A_117 : vector<16xi32>
      %select_n3A_119 = arith.select %eq3A_118, %get3A_115, %select_n3A_110 : vector<16xi1>, vector<16xf32>
      %get3A_120 = arith.constant 3 : i32
      %get3A_121 = arith.index_cast %get3A_120 : i32 to index
      %get3A_122 = arith.constant 0 : index
      %get3A_123 = tpu.vector_load %arg14[%get3A_121, %get3A_122] {strides = array<i32>} : memref<64x16xf32, #tpu.memory_space<vmem>>, vector<1x16xf32>,
      %get3A_124 = vector.shape_cast %get3A_123 : vector<1x16xf32> to vector<16xf32>
      %eq3A_125 = arith.constant 3 : i32
      %eq3A_126 = vector.broadcast %eq3A_125 : i32 to vector<16xi32>
      %eq3A_127 = arith.cmpi eq, %iota3A, %eq3A_126 : vector<16xi32>
      %select_n3A_128 = arith.select %eq3A_127, %get3A_124, %select_n3A_119 : vector<16xi1>, vector<16xf32>
      %get3A_129 = arith.constant 4 : i32
      %get3A_130 = arith.index_cast %get3A_129 : i32 to index
      %get3A_131 = arith.constant 0 : index
      %get3A_132 = tpu.vector_load %arg14[%get3A_130, %get3A_131] {strides = array<i32>} : memref<64x16xf32, #tpu.memory_space<vmem>>, vector<1x16xf32>,
      %get3A_133 = vector.shape_cast %get3A_132 : vector<1x16xf32> to vector<16xf32>
      %eq3A_134 = arith.constant 4 : i32
      %eq3A_135 = vector.broadcast %eq3A_134 : i32 to vector<16xi32>
      %eq3A_136 = arith.cmpi eq, %iota3A, %eq3A_135 : vector<16xi32>
      %select_n3A_137 = arith.select %eq3A_136, %get3A_133, %select_n3A_128 : vector<16xi1>, vector<16xf32>
      %get3A_138 = arith.constant 5 : i32
      %get3A_139 = arith.index_cast %get3A_138 : i32 to index
      %get3A_140 = arith.constant 0 : index
      %get3A_141 = tpu.vector_load %arg14[%get3A_139, %get3A_140] {strides = array<i32>} : memref<64x16xf32, #tpu.memory_space<vmem>>, vector<1x16xf32>,
      %get3A_142 = vector.shape_cast %get3A_141 : vector<1x16xf32> to vector<16xf32>
      %eq3A_143 = arith.constant 5 : i32
      %eq3A_144 = vector.broadcast %eq3A_143 : i32 to vector<16xi32>
      %eq3A_145 = arith.cmpi eq, %iota3A, %eq3A_144 : vector<16xi32>
      %select_n3A_146 = arith.select %eq3A_145, %get3A_142, %select_n3A_137 : vector<16xi1>, vector<16xf32>
      %get3A_147 = arith.constant 6 : i32
      %get3A_148 = arith.index_cast %get3A_147 : i32 to index
      %get3A_149 = arith.constant 0 : index
      %get3A_150 = tpu.vector_load %arg14[%get3A_148, %get3A_149] {strides = array<i32>} : memref<64x16xf32, #tpu.memory_space<vmem>>, vector<1x16xf32>,
      %get3A_151 = vector.shape_cast %get3A_150 : vector<1x16xf32> to vector<16xf32>
      %eq3A_152 = arith.constant 6 : i32
      %eq3A_153 = vector.broadcast %eq3A_152 : i32 to vector<16xi32>
      %eq3A_154 = arith.cmpi eq, %iota3A, %eq3A_153 : vector<16xi32>
      %select_n3A_155 = arith.select %eq3A_154, %get3A_151, %select_n3A_146 : vector<16xi1>, vector<16xf32>
      %get3A_156 = arith.constant 7 : i32
      %get3A_157 = arith.index_cast %get3A_156 : i32 to index
      %get3A_158 = arith.constant 0 : index
      %get3A_159 = tpu.vector_load %arg14[%get3A_157, %get3A_158] {strides = array<i32>} : memref<64x16xf32, #tpu.memory_space<vmem>>, vector<1x16xf32>,
      %get3A_160 = vector.shape_cast %get3A_159 : vector<1x16xf32> to vector<16xf32>
      %eq3A_161 = arith.constant 7 : i32
      %eq3A_162 = vector.broadcast %eq3A_161 : i32 to vector<16xi32>
      %eq3A_163 = arith.cmpi eq, %iota3A, %eq3A_162 : vector<16xi32>
      %select_n3A_164 = arith.select %eq3A_163, %get3A_160, %select_n3A_155 : vector<16xi1>, vector<16xf32>
      %get3A_165 = arith.constant 8 : i32
      %get3A_166 = arith.index_cast %get3A_165 : i32 to index
      %get3A_167 = arith.constant 0 : index
      %get3A_168 = tpu.vector_load %arg14[%get3A_166, %get3A_167] {strides = array<i32>} : memref<64x16xf32, #tpu.memory_space<vmem>>, vector<1x16xf32>,
      %get3A_169 = vector.shape_cast %get3A_168 : vector<1x16xf32> to vector<16xf32>
      %eq3A_170 = arith.constant 8 : i32
      %eq3A_171 = vector.broadcast %eq3A_170 : i32 to vector<16xi32>
      %eq3A_172 = arith.cmpi eq, %iota3A, %eq3A_171 : vector<16xi32>
      %select_n3A_173 = arith.select %eq3A_172, %get3A_169, %select_n3A_164 : vector<16xi1>, vector<16xf32>
      %get3A_174 = arith.constant 9 : i32
      %get3A_175 = arith.index_cast %get3A_174 : i32 to index
      %get3A_176 = arith.constant 0 : index
      %get3A_177 = tpu.vector_load %arg14[%get3A_175, %get3A_176] {strides = array<i32>} : memref<64x16xf32, #tpu.memory_space<vmem>>, vector<1x16xf32>,
      %get3A_178 = vector.shape_cast %get3A_177 : vector<1x16xf32> to vector<16xf32>
      %eq3A_179 = arith.constant 9 : i32
      %eq3A_180 = vector.broadcast %eq3A_179 : i32 to vector<16xi32>
      %eq3A_181 = arith.cmpi eq, %iota3A, %eq3A_180 : vector<16xi32>
      %select_n3A_182 = arith.select %eq3A_181, %get3A_178, %select_n3A_173 : vector<16xi1>, vector<16xf32>
      %get3A_183 = arith.constant 10 : i32
      %get3A_184 = arith.index_cast %get3A_183 : i32 to index
      %get3A_185 = arith.constant 0 : index
      %get3A_186 = tpu.vector_load %arg14[%get3A_184, %get3A_185] {strides = array<i32>} : memref<64x16xf32, #tpu.memory_space<vmem>>, vector<1x16xf32>,
      %get3A_187 = vector.shape_cast %get3A_186 : vector<1x16xf32> to vector<16xf32>
      %eq3A_188 = arith.constant 10 : i32
      %eq3A_189 = vector.broadcast %eq3A_188 : i32 to vector<16xi32>
      %eq3A_190 = arith.cmpi eq, %iota3A, %eq3A_189 : vector<16xi32>
      %select_n3A_191 = arith.select %eq3A_190, %get3A_187, %select_n3A_182 : vector<16xi1>, vector<16xf32>
      %get3A_192 = arith.constant 11 : i32
      %get3A_193 = arith.index_cast %get3A_192 : i32 to index
      %get3A_194 = arith.constant 0 : index
      %get3A_195 = tpu.vector_load %arg14[%get3A_193, %get3A_194] {strides = array<i32>} : memref<64x16xf32, #tpu.memory_space<vmem>>, vector<1x16xf32>,
      %get3A_196 = vector.shape_cast %get3A_195 : vector<1x16xf32> to vector<16xf32>
      %eq3A_197 = arith.constant 11 : i32
      %eq3A_198 = vector.broadcast %eq3A_197 : i32 to vector<16xi32>
      %eq3A_199 = arith.cmpi eq, %iota3A, %eq3A_198 : vector<16xi32>
      %select_n3A_200 = arith.select %eq3A_199, %get3A_196, %select_n3A_191 : vector<16xi1>, vector<16xf32>
      %get3A_201 = arith.constant 12 : i32
      %get3A_202 = arith.index_cast %get3A_201 : i32 to index
      %get3A_203 = arith.constant 0 : index
      %get3A_204 = tpu.vector_load %arg14[%get3A_202, %get3A_203] {strides = array<i32>} : memref<64x16xf32, #tpu.memory_space<vmem>>, vector<1x16xf32>,
      %get3A_205 = vector.shape_cast %get3A_204 : vector<1x16xf32> to vector<16xf32>
      %eq3A_206 = arith.constant 12 : i32
      %eq3A_207 = vector.broadcast %eq3A_206 : i32 to vector<16xi32>
      %eq3A_208 = arith.cmpi eq, %iota3A, %eq3A_207 : vector<16xi32>
      %select_n3A_209 = arith.select %eq3A_208, %get3A_205, %select_n3A_200 : vector<16xi1>, vector<16xf32>
      %get3A_210 = arith.constant 13 : i32
      %get3A_211 = arith.index_cast %get3A_210 : i32 to index
      %get3A_212 = arith.constant 0 : index
      %get3A_213 = tpu.vector_load %arg14[%get3A_211, %get3A_212] {strides = array<i32>} : memref<64x16xf32, #tpu.memory_space<vmem>>, vector<1x16xf32>,
      %get3A_214 = vector.shape_cast %get3A_213 : vector<1x16xf32> to vector<16xf32>
      %eq3A_215 = arith.constant 13 : i32
      %eq3A_216 = vector.broadcast %eq3A_215 : i32 to vector<16xi32>
      %eq3A_217 = arith.cmpi eq, %iota3A, %eq3A_216 : vector<16xi32>
      %select_n3A_218 = arith.select %eq3A_217, %get3A_214, %select_n3A_209 : vector<16xi1>, vector<16xf32>
      %get3A_219 = arith.constant 14 : i32
      %get3A_220 = arith.index_cast %get3A_219 : i32 to index
      %get3A_221 = arith.constant 0 : index
      %get3A_222 = tpu.vector_load %arg14[%get3A_220, %get3A_221] {strides = array<i32>} : memref<64x16xf32, #tpu.memory_space<vmem>>, vector<1x16xf32>,
      %get3A_223 = vector.shape_cast %get3A_222 : vector<1x16xf32> to vector<16xf32>
      %eq3A_224 = arith.constant 14 : i32
      %eq3A_225 = vector.broadcast %eq3A_224 : i32 to vector<16xi32>
      %eq3A_226 = arith.cmpi eq, %iota3A, %eq3A_225 : vector<16xi32>
      %select_n3A_227 = arith.select %eq3A_226, %get3A_223, %select_n3A_218 : vector<16xi1>, vector<16xf32>
      %get3A_228 = arith.constant 15 : i32
      %get3A_229 = arith.index_cast %get3A_228 : i32 to index
      %get3A_230 = arith.constant 0 : index
      %get3A_231 = tpu.vector_load %arg14[%get3A_229, %get3A_230] {strides = array<i32>} : memref<64x16xf32, #tpu.memory_space<vmem>>, vector<1x16xf32>,
      %get3A_232 = vector.shape_cast %get3A_231 : vector<1x16xf32> to vector<16xf32>
      %eq3A_233 = arith.constant 15 : i32
      %eq3A_234 = vector.broadcast %eq3A_233 : i32 to vector<16xi32>
      %eq3A_235 = arith.cmpi eq, %iota3A, %eq3A_234 : vector<16xi32>
      %select_n3A_236 = arith.select %eq3A_235, %get3A_232, %select_n3A_227 : vector<16xi1>, vector<16xf32>
      %get3A_237 = arith.constant 0 : index
      %get3A_238 = tpu.vector_load %arg15[%get3A_237] {strides = array<i32>} : memref<64xf32, #tpu.memory_space<vmem>>, vector<16xf32>,
      %get3A_239 = vector.shape_cast %get3A_238 : vector<16xf32> to vector<16xf32>
      %mul3A_240 = arith.constant 9.900000e-01 : f32
      %mul3A_241 = vector.broadcast %mul3A_240 : f32 to vector<16xf32>
      %mul3A_242 = arith.mulf %mul3A_241, %get3A_239 : vector<16xf32>
      %mul3A_243 = arith.constant 0.00999999977 : f32
      %mul3A_244 = vector.broadcast %mul3A_243 : f32 to vector<16xf32>
      %mul3A_245 = arith.mulf %mul3A_244, %select_n3A_236 : vector<16xf32>
      %add3A_246 = arith.addf %mul3A_242, %mul3A_245 : vector<16xf32>
      %swap3A = arith.constant 0 : index
      %swap3A_247 = tpu.vector_load %arg16[%swap3A] {strides = array<i32>} : memref<64xf32, #tpu.memory_space<vmem>>, vector<16xf32>,
      %swap3A_248 = vector.shape_cast %swap3A_247 : vector<16xf32> to vector<16xf32>
      %swap3A_249 = vector.shape_cast %add3A_246 : vector<16xf32> to vector<16xf32>
      tpu.vector_store %arg16[%swap3A], %swap3A_249 {strides = array<i32>} : memref<64xf32, #tpu.memory_space<vmem>>, vector<16xf32>,
      %broadcast_in_dim3A_250 = arith.constant 0.000000e+00 : f32
      %broadcast_in_dim3A_251 = vector.broadcast %broadcast_in_dim3A_250 : f32 to vector<16xf32>
      %get3A_252 = arith.constant 16 : i32
      %get3A_253 = arith.index_cast %get3A_252 : i32 to index
      %get3A_254 = arith.constant 0 : index
      %get3A_255 = tpu.vector_load %arg14[%get3A_253, %get3A_254] {strides = array<i32>} : memref<64x16xf32, #tpu.memory_space<vmem>>, vector<1x16xf32>,
      %get3A_256 = vector.shape_cast %get3A_255 : vector<1x16xf32> to vector<16xf32>
      %eq3A_257 = arith.constant 0 : i32
      %eq3A_258 = vector.broadcast %eq3A_257 : i32 to vector<16xi32>
      %eq3A_259 = arith.cmpi eq, %iota3A, %eq3A_258 : vector<16xi32>
      %select_n3A_260 = arith.select %eq3A_259, %get3A_256, %broadcast_in_dim3A_251 : vector<16xi1>, vector<16xf32>
      %get3A_261 = arith.constant 17 : i32
      %get3A_262 = arith.index_cast %get3A_261 : i32 to index
      %get3A_263 = arith.constant 0 : index
      %get3A_264 = tpu.vector_load %arg14[%get3A_262, %get3A_263] {strides = array<i32>} : memref<64x16xf32, #tpu.memory_space<vmem>>, vector<1x16xf32>,
      %get3A_265 = vector.shape_cast %get3A_264 : vector<1x16xf32> to vector<16xf32>
      %eq3A_266 = arith.constant 1 : i32
      %eq3A_267 = vector.broadcast %eq3A_266 : i32 to vector<16xi32>
      %eq3A_268 = arith.cmpi eq, %iota3A, %eq3A_267 : vector<16xi32>
      %select_n3A_269 = arith.select %eq3A_268, %get3A_265, %select_n3A_260 : vector<16xi1>, vector<16xf32>
      %get3A_270 = arith.constant 18 : i32
      %get3A_271 = arith.index_cast %get3A_270 : i32 to index
      %get3A_272 = arith.constant 0 : index
      %get3A_273 = tpu.vector_load %arg14[%get3A_271, %get3A_272] {strides = array<i32>} : memref<64x16xf32, #tpu.memory_space<vmem>>, vector<1x16xf32>,
      %get3A_274 = vector.shape_cast %get3A_273 : vector<1x16xf32> to vector<16xf32>
      %eq3A_275 = arith.constant 2 : i32
      %eq3A_276 = vector.broadcast %eq3A_275 : i32 to vector<16xi32>
      %eq3A_277 = arith.cmpi eq, %iota3A, %eq3A_276 : vector<16xi32>
      %select_n3A_278 = arith.select %eq3A_277, %get3A_274, %select_n3A_269 : vector<16xi1>, vector<16xf32>
      %get3A_279 = arith.constant 19 : i32
      %get3A_280 = arith.index_cast %get3A_279 : i32 to index
      %get3A_281 = arith.constant 0 : index
      %get3A_282 = tpu.vector_load %arg14[%get3A_280, %get3A_281] {strides = array<i32>} : memref<64x16xf32, #tpu.memory_space<vmem>>, vector<1x16xf32>,
      %get3A_283 = vector.shape_cast %get3A_282 : vector<1x16xf32> to vector<16xf32>
      %eq3A_284 = arith.constant 3 : i32
      %eq3A_285 = vector.broadcast %eq3A_284 : i32 to vector<16xi32>
      %eq3A_286 = arith.cmpi eq, %iota3A, %eq3A_285 : vector<16xi32>
      %select_n3A_287 = arith.select %eq3A_286, %get3A_283, %select_n3A_278 : vector<16xi1>, vector<16xf32>
      %get3A_288 = arith.constant 20 : i32
      %get3A_289 = arith.index_cast %get3A_288 : i32 to index
      %get3A_290 = arith.constant 0 : index
      %get3A_291 = tpu.vector_load %arg14[%get3A_289, %get3A_290] {strides = array<i32>} : memref<64x16xf32, #tpu.memory_space<vmem>>, vector<1x16xf32>,
      %get3A_292 = vector.shape_cast %get3A_291 : vector<1x16xf32> to vector<16xf32>
      %eq3A_293 = arith.constant 4 : i32
      %eq3A_294 = vector.broadcast %eq3A_293 : i32 to vector<16xi32>
      %eq3A_295 = arith.cmpi eq, %iota3A, %eq3A_294 : vector<16xi32>
      %select_n3A_296 = arith.select %eq3A_295, %get3A_292, %select_n3A_287 : vector<16xi1>, vector<16xf32>
      %get3A_297 = arith.constant 21 : i32
      %get3A_298 = arith.index_cast %get3A_297 : i32 to index
      %get3A_299 = arith.constant 0 : index
      %get3A_300 = tpu.vector_load %arg14[%get3A_298, %get3A_299] {strides = array<i32>} : memref<64x16xf32, #tpu.memory_space<vmem>>, vector<1x16xf32>,
      %get3A_301 = vector.shape_cast %get3A_300 : vector<1x16xf32> to vector<16xf32>
      %eq3A_302 = arith.constant 5 : i32
      %eq3A_303 = vector.broadcast %eq3A_302 : i32 to vector<16xi32>
      %eq3A_304 = arith.cmpi eq, %iota3A, %eq3A_303 : vector<16xi32>
      %select_n3A_305 = arith.select %eq3A_304, %get3A_301, %select_n3A_296 : vector<16xi1>, vector<16xf32>
      %get3A_306 = arith.constant 22 : i32
      %get3A_307 = arith.index_cast %get3A_306 : i32 to index
      %get3A_308 = arith.constant 0 : index
      %get3A_309 = tpu.vector_load %arg14[%get3A_307, %get3A_308] {strides = array<i32>} : memref<64x16xf32, #tpu.memory_space<vmem>>, vector<1x16xf32>,
      %get3A_310 = vector.shape_cast %get3A_309 : vector<1x16xf32> to vector<16xf32>
      %eq3A_311 = arith.constant 6 : i32
      %eq3A_312 = vector.broadcast %eq3A_311 : i32 to vector<16xi32>
      %eq3A_313 = arith.cmpi eq, %iota3A, %eq3A_312 : vector<16xi32>
      %select_n3A_314 = arith.select %eq3A_313, %get3A_310, %select_n3A_305 : vector<16xi1>, vector<16xf32>
      %get3A_315 = arith.constant 23 : i32
      %get3A_316 = arith.index_cast %get3A_315 : i32 to index
      %get3A_317 = arith.constant 0 : index
      %get3A_318 = tpu.vector_load %arg14[%get3A_316, %get3A_317] {strides = array<i32>} : memref<64x16xf32, #tpu.memory_space<vmem>>, vector<1x16xf32>,
      %get3A_319 = vector.shape_cast %get3A_318 : vector<1x16xf32> to vector<16xf32>
      %eq3A_320 = arith.constant 7 : i32
      %eq3A_321 = vector.broadcast %eq3A_320 : i32 to vector<16xi32>
      %eq3A_322 = arith.cmpi eq, %iota3A, %eq3A_321 : vector<16xi32>
      %select_n3A_323 = arith.select %eq3A_322, %get3A_319, %select_n3A_314 : vector<16xi1>, vector<16xf32>
      %get3A_324 = arith.constant 24 : i32
      %get3A_325 = arith.index_cast %get3A_324 : i32 to index
      %get3A_326 = arith.constant 0 : index
      %get3A_327 = tpu.vector_load %arg14[%get3A_325, %get3A_326] {strides = array<i32>} : memref<64x16xf32, #tpu.memory_space<vmem>>, vector<1x16xf32>,
      %get3A_328 = vector.shape_cast %get3A_327 : vector<1x16xf32> to vector<16xf32>
      %eq3A_329 = arith.constant 8 : i32
      %eq3A_330 = vector.broadcast %eq3A_329 : i32 to vector<16xi32>
      %eq3A_331 = arith.cmpi eq, %iota3A, %eq3A_330 : vector<16xi32>
      %select_n3A_332 = arith.select %eq3A_331, %get3A_328, %select_n3A_323 : vector<16xi1>, vector<16xf32>
      %get3A_333 = arith.constant 25 : i32
      %get3A_334 = arith.index_cast %get3A_333 : i32 to index
      %get3A_335 = arith.constant 0 : index
      %get3A_336 = tpu.vector_load %arg14[%get3A_334, %get3A_335] {strides = array<i32>} : memref<64x16xf32, #tpu.memory_space<vmem>>, vector<1x16xf32>,
      %get3A_337 = vector.shape_cast %get3A_336 : vector<1x16xf32> to vector<16xf32>
      %eq3A_338 = arith.constant 9 : i32
      %eq3A_339 = vector.broadcast %eq3A_338 : i32 to vector<16xi32>
      %eq3A_340 = arith.cmpi eq, %iota3A, %eq3A_339 : vector<16xi32>
      %select_n3A_341 = arith.select %eq3A_340, %get3A_337, %select_n3A_332 : vector<16xi1>, vector<16xf32>
      %get3A_342 = arith.constant 26 : i32
      %get3A_343 = arith.index_cast %get3A_342 : i32 to index
      %get3A_344 = arith.constant 0 : index
      %get3A_345 = tpu.vector_load %arg14[%get3A_343, %get3A_344] {strides = array<i32>} : memref<64x16xf32, #tpu.memory_space<vmem>>, vector<1x16xf32>,
      %get3A_346 = vector.shape_cast %get3A_345 : vector<1x16xf32> to vector<16xf32>
      %eq3A_347 = arith.constant 10 : i32
      %eq3A_348 = vector.broadcast %eq3A_347 : i32 to vector<16xi32>
      %eq3A_349 = arith.cmpi eq, %iota3A, %eq3A_348 : vector<16xi32>
      %select_n3A_350 = arith.select %eq3A_349, %get3A_346, %select_n3A_341 : vector<16xi1>, vector<16xf32>
      %get3A_351 = arith.constant 27 : i32
      %get3A_352 = arith.index_cast %get3A_351 : i32 to index
      %get3A_353 = arith.constant 0 : index
      %get3A_354 = tpu.vector_load %arg14[%get3A_352, %get3A_353] {strides = array<i32>} : memref<64x16xf32, #tpu.memory_space<vmem>>, vector<1x16xf32>,
      %get3A_355 = vector.shape_cast %get3A_354 : vector<1x16xf32> to vector<16xf32>
      %eq3A_356 = arith.constant 11 : i32
      %eq3A_357 = vector.broadcast %eq3A_356 : i32 to vector<16xi32>
      %eq3A_358 = arith.cmpi eq, %iota3A, %eq3A_357 : vector<16xi32>
      %select_n3A_359 = arith.select %eq3A_358, %get3A_355, %select_n3A_350 : vector<16xi1>, vector<16xf32>
      %get3A_360 = arith.constant 28 : i32
      %get3A_361 = arith.index_cast %get3A_360 : i32 to index
      %get3A_362 = arith.constant 0 : index
      %get3A_363 = tpu.vector_load %arg14[%get3A_361, %get3A_362] {strides = array<i32>} : memref<64x16xf32, #tpu.memory_space<vmem>>, vector<1x16xf32>,
      %get3A_364 = vector.shape_cast %get3A_363 : vector<1x16xf32> to vector<16xf32>
      %eq3A_365 = arith.constant 12 : i32
      %eq3A_366 = vector.broadcast %eq3A_365 : i32 to vector<16xi32>
      %eq3A_367 = arith.cmpi eq, %iota3A, %eq3A_366 : vector<16xi32>
      %select_n3A_368 = arith.select %eq3A_367, %get3A_364, %select_n3A_359 : vector<16xi1>, vector<16xf32>
      %get3A_369 = arith.constant 29 : i32
      %get3A_370 = arith.index_cast %get3A_369 : i32 to index
      %get3A_371 = arith.constant 0 : index
      %get3A_372 = tpu.vector_load %arg14[%get3A_370, %get3A_371] {strides = array<i32>} : memref<64x16xf32, #tpu.memory_space<vmem>>, vector<1x16xf32>,
      %get3A_373 = vector.shape_cast %get3A_372 : vector<1x16xf32> to vector<16xf32>
      %eq3A_374 = arith.constant 13 : i32
      %eq3A_375 = vector.broadcast %eq3A_374 : i32 to vector<16xi32>
      %eq3A_376 = arith.cmpi eq, %iota3A, %eq3A_375 : vector<16xi32>
      %select_n3A_377 = arith.select %eq3A_376, %get3A_373, %select_n3A_368 : vector<16xi1>, vector<16xf32>
      %get3A_378 = arith.constant 30 : i32
      %get3A_379 = arith.index_cast %get3A_378 : i32 to index
      %get3A_380 = arith.constant 0 : index
      %get3A_381 = tpu.vector_load %arg14[%get3A_379, %get3A_380] {strides = array<i32>} : memref<64x16xf32, #tpu.memory_space<vmem>>, vector<1x16xf32>,
      %get3A_382 = vector.shape_cast %get3A_381 : vector<1x16xf32> to vector<16xf32>
      %eq3A_383 = arith.constant 14 : i32
      %eq3A_384 = vector.broadcast %eq3A_383 : i32 to vector<16xi32>
      %eq3A_385 = arith.cmpi eq, %iota3A, %eq3A_384 : vector<16xi32>
      %select_n3A_386 = arith.select %eq3A_385, %get3A_382, %select_n3A_377 : vector<16xi1>, vector<16xf32>
      %get3A_387 = arith.constant 31 : i32
      %get3A_388 = arith.index_cast %get3A_387 : i32 to index
      %get3A_389 = arith.constant 0 : index
      %get3A_390 = tpu.vector_load %arg14[%get3A_388, %get3A_389] {strides = array<i32>} : memref<64x16xf32, #tpu.memory_space<vmem>>, vector<1x16xf32>,
      %get3A_391 = vector.shape_cast %get3A_390 : vector<1x16xf32> to vector<16xf32>
      %eq3A_392 = arith.constant 15 : i32
      %eq3A_393 = vector.broadcast %eq3A_392 : i32 to vector<16xi32>
      %eq3A_394 = arith.cmpi eq, %iota3A, %eq3A_393 : vector<16xi32>
      %select_n3A_395 = arith.select %eq3A_394, %get3A_391, %select_n3A_386 : vector<16xi1>, vector<16xf32>
      %get3A_396 = arith.constant 16 : index
      %get3A_397 = tpu.vector_load %arg15[%get3A_396] {strides = array<i32>} : memref<64xf32, #tpu.memory_space<vmem>>, vector<16xf32>,
      %get3A_398 = vector.shape_cast %get3A_397 : vector<16xf32> to vector<16xf32>
      %mul3A_399 = arith.constant 9.900000e-01 : f32
      %mul3A_400 = vector.broadcast %mul3A_399 : f32 to vector<16xf32>
      %mul3A_401 = arith.mulf %mul3A_400, %get3A_398 : vector<16xf32>
      %mul3A_402 = arith.constant 0.00999999977 : f32
      %mul3A_403 = vector.broadcast %mul3A_402 : f32 to vector<16xf32>
      %mul3A_404 = arith.mulf %mul3A_403, %select_n3A_395 : vector<16xf32>
      %add3A_405 = arith.addf %mul3A_401, %mul3A_404 : vector<16xf32>
      %swap3A_406 = arith.constant 16 : index
      %swap3A_407 = tpu.vector_load %arg16[%swap3A_406] {strides = array<i32>} : memref<64xf32, #tpu.memory_space<vmem>>, vector<16xf32>,
      %swap3A_408 = vector.shape_cast %swap3A_407 : vector<16xf32> to vector<16xf32>
      %swap3A_409 = vector.shape_cast %add3A_405 : vector<16xf32> to vector<16xf32>
      tpu.vector_store %arg16[%swap3A_406], %swap3A_409 {strides = array<i32>} : memref<64xf32, #tpu.memory_space<vmem>>, vector<16xf32>,
      %broadcast_in_dim3A_410 = arith.constant 0.000000e+00 : f32
      %broadcast_in_dim3A_411 = vector.broadcast %broadcast_in_dim3A_410 : f32 to vector<16xf32>
      %get3A_412 = arith.constant 32 : i32
      %get3A_413 = arith.index_cast %get3A_412 : i32 to index
      %get3A_414 = arith.constant 0 : index
      %get3A_415 = tpu.vector_load %arg14[%get3A_413, %get3A_414] {strides = array<i32>} : memref<64x16xf32, #tpu.memory_space<vmem>>, vector<1x16xf32>,
      %get3A_416 = vector.shape_cast %get3A_415 : vector<1x16xf32> to vector<16xf32>
      %eq3A_417 = arith.constant 0 : i32
      %eq3A_418 = vector.broadcast %eq3A_417 : i32 to vector<16xi32>
      %eq3A_419 = arith.cmpi eq, %iota3A, %eq3A_418 : vector<16xi32>
      %select_n3A_420 = arith.select %eq3A_419, %get3A_416, %broadcast_in_dim3A_411 : vector<16xi1>, vector<16xf32>
      %get3A_421 = arith.constant 33 : i32
      %get3A_422 = arith.index_cast %get3A_421 : i32 to index
      %get3A_423 = arith.constant 0 : index
      %get3A_424 = tpu.vector_load %arg14[%get3A_422, %get3A_423] {strides = array<i32>} : memref<64x16xf32, #tpu.memory_space<vmem>>, vector<1x16xf32>,
      %get3A_425 = vector.shape_cast %get3A_424 : vector<1x16xf32> to vector<16xf32>
      %eq3A_426 = arith.constant 1 : i32
      %eq3A_427 = vector.broadcast %eq3A_426 : i32 to vector<16xi32>
      %eq3A_428 = arith.cmpi eq, %iota3A, %eq3A_427 : vector<16xi32>
      %select_n3A_429 = arith.select %eq3A_428, %get3A_425, %select_n3A_420 : vector<16xi1>, vector<16xf32>
      %get3A_430 = arith.constant 34 : i32
      %get3A_431 = arith.index_cast %get3A_430 : i32 to index
      %get3A_432 = arith.constant 0 : index
      %get3A_433 = tpu.vector_load %arg14[%get3A_431, %get3A_432] {strides = array<i32>} : memref<64x16xf32, #tpu.memory_space<vmem>>, vector<1x16xf32>,
      %get3A_434 = vector.shape_cast %get3A_433 : vector<1x16xf32> to vector<16xf32>
      %eq3A_435 = arith.constant 2 : i32
      %eq3A_436 = vector.broadcast %eq3A_435 : i32 to vector<16xi32>
      %eq3A_437 = arith.cmpi eq, %iota3A, %eq3A_436 : vector<16xi32>
      %select_n3A_438 = arith.select %eq3A_437, %get3A_434, %select_n3A_429 : vector<16xi1>, vector<16xf32>
      %get3A_439 = arith.constant 35 : i32
      %get3A_440 = arith.index_cast %get3A_439 : i32 to index
      %get3A_441 = arith.constant 0 : index
      %get3A_442 = tpu.vector_load %arg14[%get3A_440, %get3A_441] {strides = array<i32>} : memref<64x16xf32, #tpu.memory_space<vmem>>, vector<1x16xf32>,
      %get3A_443 = vector.shape_cast %get3A_442 : vector<1x16xf32> to vector<16xf32>
      %eq3A_444 = arith.constant 3 : i32
      %eq3A_445 = vector.broadcast %eq3A_444 : i32 to vector<16xi32>
      %eq3A_446 = arith.cmpi eq, %iota3A, %eq3A_445 : vector<16xi32>
      %select_n3A_447 = arith.select %eq3A_446, %get3A_443, %select_n3A_438 : vector<16xi1>, vector<16xf32>
      %get3A_448 = arith.constant 36 : i32
      %get3A_449 = arith.index_cast %get3A_448 : i32 to index
      %get3A_450 = arith.constant 0 : index
      %get3A_451 = tpu.vector_load %arg14[%get3A_449, %get3A_450] {strides = array<i32>} : memref<64x16xf32, #tpu.memory_space<vmem>>, vector<1x16xf32>,
      %get3A_452 = vector.shape_cast %get3A_451 : vector<1x16xf32> to vector<16xf32>
      %eq3A_453 = arith.constant 4 : i32
      %eq3A_454 = vector.broadcast %eq3A_453 : i32 to vector<16xi32>
      %eq3A_455 = arith.cmpi eq, %iota3A, %eq3A_454 : vector<16xi32>
      %select_n3A_456 = arith.select %eq3A_455, %get3A_452, %select_n3A_447 : vector<16xi1>, vector<16xf32>
      %get3A_457 = arith.constant 37 : i32
      %get3A_458 = arith.index_cast %get3A_457 : i32 to index
      %get3A_459 = arith.constant 0 : index
      %get3A_460 = tpu.vector_load %arg14[%get3A_458, %get3A_459] {strides = array<i32>} : memref<64x16xf32, #tpu.memory_space<vmem>>, vector<1x16xf32>,
      %get3A_461 = vector.shape_cast %get3A_460 : vector<1x16xf32> to vector<16xf32>
      %eq3A_462 = arith.constant 5 : i32
      %eq3A_463 = vector.broadcast %eq3A_462 : i32 to vector<16xi32>
      %eq3A_464 = arith.cmpi eq, %iota3A, %eq3A_463 : vector<16xi32>
      %select_n3A_465 = arith.select %eq3A_464, %get3A_461, %select_n3A_456 : vector<16xi1>, vector<16xf32>
      %get3A_466 = arith.constant 38 : i32
      %get3A_467 = arith.index_cast %get3A_466 : i32 to index
      %get3A_468 = arith.constant 0 : index
      %get3A_469 = tpu.vector_load %arg14[%get3A_467, %get3A_468] {strides = array<i32>} : memref<64x16xf32, #tpu.memory_space<vmem>>, vector<1x16xf32>,
      %get3A_470 = vector.shape_cast %get3A_469 : vector<1x16xf32> to vector<16xf32>
      %eq3A_471 = arith.constant 6 : i32
      %eq3A_472 = vector.broadcast %eq3A_471 : i32 to vector<16xi32>
      %eq3A_473 = arith.cmpi eq, %iota3A, %eq3A_472 : vector<16xi32>
      %select_n3A_474 = arith.select %eq3A_473, %get3A_470, %select_n3A_465 : vector<16xi1>, vector<16xf32>
      %get3A_475 = arith.constant 39 : i32
      %get3A_476 = arith.index_cast %get3A_475 : i32 to index
      %get3A_477 = arith.constant 0 : index
      %get3A_478 = tpu.vector_load %arg14[%get3A_476, %get3A_477] {strides = array<i32>} : memref<64x16xf32, #tpu.memory_space<vmem>>, vector<1x16xf32>,
      %get3A_479 = vector.shape_cast %get3A_478 : vector<1x16xf32> to vector<16xf32>
      %eq3A_480 = arith.constant 7 : i32
      %eq3A_481 = vector.broadcast %eq3A_480 : i32 to vector<16xi32>
      %eq3A_482 = arith.cmpi eq, %iota3A, %eq3A_481 : vector<16xi32>
      %select_n3A_483 = arith.select %eq3A_482, %get3A_479, %select_n3A_474 : vector<16xi1>, vector<16xf32>
      %get3A_484 = arith.constant 40 : i32
      %get3A_485 = arith.index_cast %get3A_484 : i32 to index
      %get3A_486 = arith.constant 0 : index
      %get3A_487 = tpu.vector_load %arg14[%get3A_485, %get3A_486] {strides = array<i32>} : memref<64x16xf32, #tpu.memory_space<vmem>>, vector<1x16xf32>,
      %get3A_488 = vector.shape_cast %get3A_487 : vector<1x16xf32> to vector<16xf32>
      %eq3A_489 = arith.constant 8 : i32
      %eq3A_490 = vector.broadcast %eq3A_489 : i32 to vector<16xi32>
      %eq3A_491 = arith.cmpi eq, %iota3A, %eq3A_490 : vector<16xi32>
      %select_n3A_492 = arith.select %eq3A_491, %get3A_488, %select_n3A_483 : vector<16xi1>, vector<16xf32>
      %get3A_493 = arith.constant 41 : i32
      %get3A_494 = arith.index_cast %get3A_493 : i32 to index
      %get3A_495 = arith.constant 0 : index
      %get3A_496 = tpu.vector_load %arg14[%get3A_494, %get3A_495] {strides = array<i32>} : memref<64x16xf32, #tpu.memory_space<vmem>>, vector<1x16xf32>,
      %get3A_497 = vector.shape_cast %get3A_496 : vector<1x16xf32> to vector<16xf32>
      %eq3A_498 = arith.constant 9 : i32
      %eq3A_499 = vector.broadcast %eq3A_498 : i32 to vector<16xi32>
      %eq3A_500 = arith.cmpi eq, %iota3A, %eq3A_499 : vector<16xi32>
      %select_n3A_501 = arith.select %eq3A_500, %get3A_497, %select_n3A_492 : vector<16xi1>, vector<16xf32>
      %get3A_502 = arith.constant 42 : i32
      %get3A_503 = arith.index_cast %get3A_502 : i32 to index
      %get3A_504 = arith.constant 0 : index
      %get3A_505 = tpu.vector_load %arg14[%get3A_503, %get3A_504] {strides = array<i32>} : memref<64x16xf32, #tpu.memory_space<vmem>>, vector<1x16xf32>,
      %get3A_506 = vector.shape_cast %get3A_505 : vector<1x16xf32> to vector<16xf32>
      %eq3A_507 = arith.constant 10 : i32
      %eq3A_508 = vector.broadcast %eq3A_507 : i32 to vector<16xi32>
      %eq3A_509 = arith.cmpi eq, %iota3A, %eq3A_508 : vector<16xi32>
      %select_n3A_510 = arith.select %eq3A_509, %get3A_506, %select_n3A_501 : vector<16xi1>, vector<16xf32>
      %get3A_511 = arith.constant 43 : i32
      %get3A_512 = arith.index_cast %get3A_511 : i32 to index
      %get3A_513 = arith.constant 0 : index
      %get3A_514 = tpu.vector_load %arg14[%get3A_512, %get3A_513] {strides = array<i32>} : memref<64x16xf32, #tpu.memory_space<vmem>>, vector<1x16xf32>,
      %get3A_515 = vector.shape_cast %get3A_514 : vector<1x16xf32> to vector<16xf32>
      %eq3A_516 = arith.constant 11 : i32
      %eq3A_517 = vector.broadcast %eq3A_516 : i32 to vector<16xi32>
      %eq3A_518 = arith.cmpi eq, %iota3A, %eq3A_517 : vector<16xi32>
      %select_n3A_519 = arith.select %eq3A_518, %get3A_515, %select_n3A_510 : vector<16xi1>, vector<16xf32>
      %get3A_520 = arith.constant 44 : i32
      %get3A_521 = arith.index_cast %get3A_520 : i32 to index
      %get3A_522 = arith.constant 0 : index
      %get3A_523 = tpu.vector_load %arg14[%get3A_521, %get3A_522] {strides = array<i32>} : memref<64x16xf32, #tpu.memory_space<vmem>>, vector<1x16xf32>,
      %get3A_524 = vector.shape_cast %get3A_523 : vector<1x16xf32> to vector<16xf32>
      %eq3A_525 = arith.constant 12 : i32
      %eq3A_526 = vector.broadcast %eq3A_525 : i32 to vector<16xi32>
      %eq3A_527 = arith.cmpi eq, %iota3A, %eq3A_526 : vector<16xi32>
      %select_n3A_528 = arith.select %eq3A_527, %get3A_524, %select_n3A_519 : vector<16xi1>, vector<16xf32>
      %get3A_529 = arith.constant 45 : i32
      %get3A_530 = arith.index_cast %get3A_529 : i32 to index
      %get3A_531 = arith.constant 0 : index
      %get3A_532 = tpu.vector_load %arg14[%get3A_530, %get3A_531] {strides = array<i32>} : memref<64x16xf32, #tpu.memory_space<vmem>>, vector<1x16xf32>,
      %get3A_533 = vector.shape_cast %get3A_532 : vector<1x16xf32> to vector<16xf32>
      %eq3A_534 = arith.constant 13 : i32
      %eq3A_535 = vector.broadcast %eq3A_534 : i32 to vector<16xi32>
      %eq3A_536 = arith.cmpi eq, %iota3A, %eq3A_535 : vector<16xi32>
      %select_n3A_537 = arith.select %eq3A_536, %get3A_533, %select_n3A_528 : vector<16xi1>, vector<16xf32>
      %get3A_538 = arith.constant 46 : i32
      %get3A_539 = arith.index_cast %get3A_538 : i32 to index
      %get3A_540 = arith.constant 0 : index
      %get3A_541 = tpu.vector_load %arg14[%get3A_539, %get3A_540] {strides = array<i32>} : memref<64x16xf32, #tpu.memory_space<vmem>>, vector<1x16xf32>,
      %get3A_542 = vector.shape_cast %get3A_541 : vector<1x16xf32> to vector<16xf32>
      %eq3A_543 = arith.constant 14 : i32
      %eq3A_544 = vector.broadcast %eq3A_543 : i32 to vector<16xi32>
      %eq3A_545 = arith.cmpi eq, %iota3A, %eq3A_544 : vector<16xi32>
      %select_n3A_546 = arith.select %eq3A_545, %get3A_542, %select_n3A_537 : vector<16xi1>, vector<16xf32>
      %get3A_547 = arith.constant 47 : i32
      %get3A_548 = arith.index_cast %get3A_547 : i32 to index
      %get3A_549 = arith.constant 0 : index
      %get3A_550 = tpu.vector_load %arg14[%get3A_548, %get3A_549] {strides = array<i32>} : memref<64x16xf32, #tpu.memory_space<vmem>>, vector<1x16xf32>,
      %get3A_551 = vector.shape_cast %get3A_550 : vector<1x16xf32> to vector<16xf32>
      %eq3A_552 = arith.constant 15 : i32
      %eq3A_553 = vector.broadcast %eq3A_552 : i32 to vector<16xi32>
      %eq3A_554 = arith.cmpi eq, %iota3A, %eq3A_553 : vector<16xi32>
      %select_n3A_555 = arith.select %eq3A_554, %get3A_551, %select_n3A_546 : vector<16xi1>, vector<16xf32>
      %get3A_556 = arith.constant 32 : index
      %get3A_557 = tpu.vector_load %arg15[%get3A_556] {strides = array<i32>} : memref<64xf32, #tpu.memory_space<vmem>>, vector<16xf32>,
      %get3A_558 = vector.shape_cast %get3A_557 : vector<16xf32> to vector<16xf32>
      %mul3A_559 = arith.constant 9.900000e-01 : f32
      %mul3A_560 = vector.broadcast %mul3A_559 : f32 to vector<16xf32>
      %mul3A_561 = arith.mulf %mul3A_560, %get3A_558 : vector<16xf32>
      %mul3A_562 = arith.constant 0.00999999977 : f32
      %mul3A_563 = vector.broadcast %mul3A_562 : f32 to vector<16xf32>
      %mul3A_564 = arith.mulf %mul3A_563, %select_n3A_555 : vector<16xf32>
      %add3A_565 = arith.addf %mul3A_561, %mul3A_564 : vector<16xf32>
      %swap3A_566 = arith.constant 32 : index
      %swap3A_567 = tpu.vector_load %arg16[%swap3A_566] {strides = array<i32>} : memref<64xf32, #tpu.memory_space<vmem>>, vector<16xf32>,
      %swap3A_568 = vector.shape_cast %swap3A_567 : vector<16xf32> to vector<16xf32>
      %swap3A_569 = vector.shape_cast %add3A_565 : vector<16xf32> to vector<16xf32>
      tpu.vector_store %arg16[%swap3A_566], %swap3A_569 {strides = array<i32>} : memref<64xf32, #tpu.memory_space<vmem>>, vector<16xf32>,
      %broadcast_in_dim3A_570 = arith.constant 0.000000e+00 : f32
      %broadcast_in_dim3A_571 = vector.broadcast %broadcast_in_dim3A_570 : f32 to vector<16xf32>
      %get3A_572 = arith.constant 48 : i32
      %get3A_573 = arith.index_cast %get3A_572 : i32 to index
      %get3A_574 = arith.constant 0 : index
      %get3A_575 = tpu.vector_load %arg14[%get3A_573, %get3A_574] {strides = array<i32>} : memref<64x16xf32, #tpu.memory_space<vmem>>, vector<1x16xf32>,
      %get3A_576 = vector.shape_cast %get3A_575 : vector<1x16xf32> to vector<16xf32>
      %eq3A_577 = arith.constant 0 : i32
      %eq3A_578 = vector.broadcast %eq3A_577 : i32 to vector<16xi32>
      %eq3A_579 = arith.cmpi eq, %iota3A, %eq3A_578 : vector<16xi32>
      %select_n3A_580 = arith.select %eq3A_579, %get3A_576, %broadcast_in_dim3A_571 : vector<16xi1>, vector<16xf32>
      %get3A_581 = arith.constant 49 : i32
      %get3A_582 = arith.index_cast %get3A_581 : i32 to index
      %get3A_583 = arith.constant 0 : index
      %get3A_584 = tpu.vector_load %arg14[%get3A_582, %get3A_583] {strides = array<i32>} : memref<64x16xf32, #tpu.memory_space<vmem>>, vector<1x16xf32>,
      %get3A_585 = vector.shape_cast %get3A_584 : vector<1x16xf32> to vector<16xf32>
      %eq3A_586 = arith.constant 1 : i32
      %eq3A_587 = vector.broadcast %eq3A_586 : i32 to vector<16xi32>
      %eq3A_588 = arith.cmpi eq, %iota3A, %eq3A_587 : vector<16xi32>
      %select_n3A_589 = arith.select %eq3A_588, %get3A_585, %select_n3A_580 : vector<16xi1>, vector<16xf32>
      %get3A_590 = arith.constant 50 : i32
      %get3A_591 = arith.index_cast %get3A_590 : i32 to index
      %get3A_592 = arith.constant 0 : index
      %get3A_593 = tpu.vector_load %arg14[%get3A_591, %get3A_592] {strides = array<i32>} : memref<64x16xf32, #tpu.memory_space<vmem>>, vector<1x16xf32>,
      %get3A_594 = vector.shape_cast %get3A_593 : vector<1x16xf32> to vector<16xf32>
      %eq3A_595 = arith.constant 2 : i32
      %eq3A_596 = vector.broadcast %eq3A_595 : i32 to vector<16xi32>
      %eq3A_597 = arith.cmpi eq, %iota3A, %eq3A_596 : vector<16xi32>
      %select_n3A_598 = arith.select %eq3A_597, %get3A_594, %select_n3A_589 : vector<16xi1>, vector<16xf32>
      %get3A_599 = arith.constant 51 : i32
      %get3A_600 = arith.index_cast %get3A_599 : i32 to index
      %get3A_601 = arith.constant 0 : index
      %get3A_602 = tpu.vector_load %arg14[%get3A_600, %get3A_601] {strides = array<i32>} : memref<64x16xf32, #tpu.memory_space<vmem>>, vector<1x16xf32>,
      %get3A_603 = vector.shape_cast %get3A_602 : vector<1x16xf32> to vector<16xf32>
      %eq3A_604 = arith.constant 3 : i32
      %eq3A_605 = vector.broadcast %eq3A_604 : i32 to vector<16xi32>
      %eq3A_606 = arith.cmpi eq, %iota3A, %eq3A_605 : vector<16xi32>
      %select_n3A_607 = arith.select %eq3A_606, %get3A_603, %select_n3A_598 : vector<16xi1>, vector<16xf32>
      %get3A_608 = arith.constant 52 : i32
      %get3A_609 = arith.index_cast %get3A_608 : i32 to index
      %get3A_610 = arith.constant 0 : index
      %get3A_611 = tpu.vector_load %arg14[%get3A_609, %get3A_610] {strides = array<i32>} : memref<64x16xf32, #tpu.memory_space<vmem>>, vector<1x16xf32>,
      %get3A_612 = vector.shape_cast %get3A_611 : vector<1x16xf32> to vector<16xf32>
      %eq3A_613 = arith.constant 4 : i32
      %eq3A_614 = vector.broadcast %eq3A_613 : i32 to vector<16xi32>
      %eq3A_615 = arith.cmpi eq, %iota3A, %eq3A_614 : vector<16xi32>
      %select_n3A_616 = arith.select %eq3A_615, %get3A_612, %select_n3A_607 : vector<16xi1>, vector<16xf32>
      %get3A_617 = arith.constant 53 : i32
      %get3A_618 = arith.index_cast %get3A_617 : i32 to index
      %get3A_619 = arith.constant 0 : index
      %get3A_620 = tpu.vector_load %arg14[%get3A_618, %get3A_619] {strides = array<i32>} : memref<64x16xf32, #tpu.memory_space<vmem>>, vector<1x16xf32>,
      %get3A_621 = vector.shape_cast %get3A_620 : vector<1x16xf32> to vector<16xf32>
      %eq3A_622 = arith.constant 5 : i32
      %eq3A_623 = vector.broadcast %eq3A_622 : i32 to vector<16xi32>
      %eq3A_624 = arith.cmpi eq, %iota3A, %eq3A_623 : vector<16xi32>
      %select_n3A_625 = arith.select %eq3A_624, %get3A_621, %select_n3A_616 : vector<16xi1>, vector<16xf32>
      %get3A_626 = arith.constant 54 : i32
      %get3A_627 = arith.index_cast %get3A_626 : i32 to index
      %get3A_628 = arith.constant 0 : index
      %get3A_629 = tpu.vector_load %arg14[%get3A_627, %get3A_628] {strides = array<i32>} : memref<64x16xf32, #tpu.memory_space<vmem>>, vector<1x16xf32>,
      %get3A_630 = vector.shape_cast %get3A_629 : vector<1x16xf32> to vector<16xf32>
      %eq3A_631 = arith.constant 6 : i32
      %eq3A_632 = vector.broadcast %eq3A_631 : i32 to vector<16xi32>
      %eq3A_633 = arith.cmpi eq, %iota3A, %eq3A_632 : vector<16xi32>
      %select_n3A_634 = arith.select %eq3A_633, %get3A_630, %select_n3A_625 : vector<16xi1>, vector<16xf32>
      %get3A_635 = arith.constant 55 : i32
      %get3A_636 = arith.index_cast %get3A_635 : i32 to index
      %get3A_637 = arith.constant 0 : index
      %get3A_638 = tpu.vector_load %arg14[%get3A_636, %get3A_637] {strides = array<i32>} : memref<64x16xf32, #tpu.memory_space<vmem>>, vector<1x16xf32>,
      %get3A_639 = vector.shape_cast %get3A_638 : vector<1x16xf32> to vector<16xf32>
      %eq3A_640 = arith.constant 7 : i32
      %eq3A_641 = vector.broadcast %eq3A_640 : i32 to vector<16xi32>
      %eq3A_642 = arith.cmpi eq, %iota3A, %eq3A_641 : vector<16xi32>
      %select_n3A_643 = arith.select %eq3A_642, %get3A_639, %select_n3A_634 : vector<16xi1>, vector<16xf32>
      %get3A_644 = arith.constant 56 : i32
      %get3A_645 = arith.index_cast %get3A_644 : i32 to index
      %get3A_646 = arith.constant 0 : index
      %get3A_647 = tpu.vector_load %arg14[%get3A_645, %get3A_646] {strides = array<i32>} : memref<64x16xf32, #tpu.memory_space<vmem>>, vector<1x16xf32>,
      %get3A_648 = vector.shape_cast %get3A_647 : vector<1x16xf32> to vector<16xf32>
      %eq3A_649 = arith.constant 8 : i32
      %eq3A_650 = vector.broadcast %eq3A_649 : i32 to vector<16xi32>
      %eq3A_651 = arith.cmpi eq, %iota3A, %eq3A_650 : vector<16xi32>
      %select_n3A_652 = arith.select %eq3A_651, %get3A_648, %select_n3A_643 : vector<16xi1>, vector<16xf32>
      %get3A_653 = arith.constant 57 : i32
      %get3A_654 = arith.index_cast %get3A_653 : i32 to index
      %get3A_655 = arith.constant 0 : index
      %get3A_656 = tpu.vector_load %arg14[%get3A_654, %get3A_655] {strides = array<i32>} : memref<64x16xf32, #tpu.memory_space<vmem>>, vector<1x16xf32>,
      %get3A_657 = vector.shape_cast %get3A_656 : vector<1x16xf32> to vector<16xf32>
      %eq3A_658 = arith.constant 9 : i32
      %eq3A_659 = vector.broadcast %eq3A_658 : i32 to vector<16xi32>
      %eq3A_660 = arith.cmpi eq, %iota3A, %eq3A_659 : vector<16xi32>
      %select_n3A_661 = arith.select %eq3A_660, %get3A_657, %select_n3A_652 : vector<16xi1>, vector<16xf32>
      %get3A_662 = arith.constant 58 : i32
      %get3A_663 = arith.index_cast %get3A_662 : i32 to index
      %get3A_664 = arith.constant 0 : index
      %get3A_665 = tpu.vector_load %arg14[%get3A_663, %get3A_664] {strides = array<i32>} : memref<64x16xf32, #tpu.memory_space<vmem>>, vector<1x16xf32>,
      %get3A_666 = vector.shape_cast %get3A_665 : vector<1x16xf32> to vector<16xf32>
      %eq3A_667 = arith.constant 10 : i32
      %eq3A_668 = vector.broadcast %eq3A_667 : i32 to vector<16xi32>
      %eq3A_669 = arith.cmpi eq, %iota3A, %eq3A_668 : vector<16xi32>
      %select_n3A_670 = arith.select %eq3A_669, %get3A_666, %select_n3A_661 : vector<16xi1>, vector<16xf32>
      %get3A_671 = arith.constant 59 : i32
      %get3A_672 = arith.index_cast %get3A_671 : i32 to index
      %get3A_673 = arith.constant 0 : index
      %get3A_674 = tpu.vector_load %arg14[%get3A_672, %get3A_673] {strides = array<i32>} : memref<64x16xf32, #tpu.memory_space<vmem>>, vector<1x16xf32>,
      %get3A_675 = vector.shape_cast %get3A_674 : vector<1x16xf32> to vector<16xf32>
      %eq3A_676 = arith.constant 11 : i32
      %eq3A_677 = vector.broadcast %eq3A_676 : i32 to vector<16xi32>
      %eq3A_678 = arith.cmpi eq, %iota3A, %eq3A_677 : vector<16xi32>
      %select_n3A_679 = arith.select %eq3A_678, %get3A_675, %select_n3A_670 : vector<16xi1>, vector<16xf32>
      %get3A_680 = arith.constant 60 : i32
      %get3A_681 = arith.index_cast %get3A_680 : i32 to index
      %get3A_682 = arith.constant 0 : index
      %get3A_683 = tpu.vector_load %arg14[%get3A_681, %get3A_682] {strides = array<i32>} : memref<64x16xf32, #tpu.memory_space<vmem>>, vector<1x16xf32>,
      %get3A_684 = vector.shape_cast %get3A_683 : vector<1x16xf32> to vector<16xf32>
      %eq3A_685 = arith.constant 12 : i32
      %eq3A_686 = vector.broadcast %eq3A_685 : i32 to vector<16xi32>
      %eq3A_687 = arith.cmpi eq, %iota3A, %eq3A_686 : vector<16xi32>
      %select_n3A_688 = arith.select %eq3A_687, %get3A_684, %select_n3A_679 : vector<16xi1>, vector<16xf32>
      %get3A_689 = arith.constant 61 : i32
      %get3A_690 = arith.index_cast %get3A_689 : i32 to index
      %get3A_691 = arith.constant 0 : index
      %get3A_692 = tpu.vector_load %arg14[%get3A_690, %get3A_691] {strides = array<i32>} : memref<64x16xf32, #tpu.memory_space<vmem>>, vector<1x16xf32>,
      %get3A_693 = vector.shape_cast %get3A_692 : vector<1x16xf32> to vector<16xf32>
      %eq3A_694 = arith.constant 13 : i32
      %eq3A_695 = vector.broadcast %eq3A_694 : i32 to vector<16xi32>
      %eq3A_696 = arith.cmpi eq, %iota3A, %eq3A_695 : vector<16xi32>
      %select_n3A_697 = arith.select %eq3A_696, %get3A_693, %select_n3A_688 : vector<16xi1>, vector<16xf32>
      %get3A_698 = arith.constant 62 : i32
      %get3A_699 = arith.index_cast %get3A_698 : i32 to index
      %get3A_700 = arith.constant 0 : index
      %get3A_701 = tpu.vector_load %arg14[%get3A_699, %get3A_700] {strides = array<i32>} : memref<64x16xf32, #tpu.memory_space<vmem>>, vector<1x16xf32>,
      %get3A_702 = vector.shape_cast %get3A_701 : vector<1x16xf32> to vector<16xf32>
      %eq3A_703 = arith.constant 14 : i32
      %eq3A_704 = vector.broadcast %eq3A_703 : i32 to vector<16xi32>
      %eq3A_705 = arith.cmpi eq, %iota3A, %eq3A_704 : vector<16xi32>
      %select_n3A_706 = arith.select %eq3A_705, %get3A_702, %select_n3A_697 : vector<16xi1>, vector<16xf32>
      %get3A_707 = arith.constant 63 : i32
      %get3A_708 = arith.index_cast %get3A_707 : i32 to index
      %get3A_709 = arith.constant 0 : index
      %get3A_710 = tpu.vector_load %arg14[%get3A_708, %get3A_709] {strides = array<i32>} : memref<64x16xf32, #tpu.memory_space<vmem>>, vector<1x16xf32>,
      %get3A_711 = vector.shape_cast %get3A_710 : vector<1x16xf32> to vector<16xf32>
      %eq3A_712 = arith.constant 15 : i32
      %eq3A_713 = vector.broadcast %eq3A_712 : i32 to vector<16xi32>
      %eq3A_714 = arith.cmpi eq, %iota3A, %eq3A_713 : vector<16xi32>
      %select_n3A_715 = arith.select %eq3A_714, %get3A_711, %select_n3A_706 : vector<16xi1>, vector<16xf32>
      %get3A_716 = arith.constant 48 : index
      %get3A_717 = tpu.vector_load %arg15[%get3A_716] {strides = array<i32>} : memref<64xf32, #tpu.memory_space<vmem>>, vector<16xf32>,
      %get3A_718 = vector.shape_cast %get3A_717 : vector<16xf32> to vector<16xf32>
      %mul3A_719 = arith.constant 9.900000e-01 : f32
      %mul3A_720 = vector.broadcast %mul3A_719 : f32 to vector<16xf32>
      %mul3A_721 = arith.mulf %mul3A_720, %get3A_718 : vector<16xf32>
      %mul3A_722 = arith.constant 0.00999999977 : f32
      %mul3A_723 = vector.broadcast %mul3A_722 : f32 to vector<16xf32>
      %mul3A_724 = arith.mulf %mul3A_723, %select_n3A_715 : vector<16xf32>
      %add3A_725 = arith.addf %mul3A_721, %mul3A_724 : vector<16xf32>
      %swap3A_726 = arith.constant 48 : index
      %swap3A_727 = tpu.vector_load %arg16[%swap3A_726] {strides = array<i32>} : memref<64xf32, #tpu.memory_space<vmem>>, vector<16xf32>,
      %swap3A_728 = vector.shape_cast %swap3A_727 : vector<16xf32> to vector<16xf32>
      %swap3A_729 = vector.shape_cast %add3A_725 : vector<16xf32> to vector<16xf32>
      tpu.vector_store %arg16[%swap3A_726], %swap3A_729 {strides = array<i32>} : memref<64xf32, #tpu.memory_space<vmem>>, vector<16xf32>,
      %mul3A_730 = arith.constant 64 : i32
      %mul3A_731 = arith.muli %arg1, %mul3A_730 : i32
      "tpu.region"() ({
        %run_scoped3A = tpu.sem_alloc : memref<!tpu.dma_semaphore, #tpu.memory_space<semaphore_mem>>
        %dma_start3A_732 = tpu.memref_slice %arg8[%mul3A_731] : memref<1024xf32, #tpu.memory_space<hbm>> -> memref<64xf32, #tpu.memory_space<hbm>>
        %dma_start3A_733 = tpu.memref_slice %arg8[%mul3A_731] : memref<1024xf32, #tpu.memory_space<hbm>> -> memref<64xf32, #tpu.memory_space<hbm>>
        tpu.enqueue_dma source(%arg16 : memref<64xf32, #tpu.memory_space<vmem>>) target(%dma_start3A_733 : memref<64xf32, #tpu.memory_space<hbm>>) target_semaphore(%run_scoped3A : memref<!tpu.dma_semaphore, #tpu.memory_space<semaphore_mem>>)
        %dma_wait3A_734 = tpu.memref_slice %arg8[%mul3A_731] : memref<1024xf32, #tpu.memory_space<hbm>> -> memref<64xf32, #tpu.memory_space<hbm>>
        %dma_wait3A_735 = tpu.memref_slice %arg8[%mul3A_731] : memref<1024xf32, #tpu.memory_space<hbm>> -> memref<64xf32, #tpu.memory_space<hbm>>
        tpu.wait_dma2 semaphore(%run_scoped3A : memref<!tpu.dma_semaphore, #tpu.memory_space<semaphore_mem>>) src(%arg16 : memref<64xf32, #tpu.memory_space<vmem>>) dst(%dma_wait3A_735 : memref<64xf32, #tpu.memory_space<hbm>>)
        tpu.yield
      }) : () -> ()
    } else {
    }
    %dma_wait3A = arith.constant 0 : i32
    %dma_wait3A_28 = arith.constant 0 : i32
    %dma_wait3A_29 = tpu.memref_slice %arg10[%dma_wait3A, %dma_wait3A_28] : memref<288x128xf32, #tpu.memory_space<vmem>> -> memref<96x128xf32, #tpu.memory_space<vmem>>
    %dma_wait3A_30 = arith.constant 0 : i32
    %dma_wait3A_31 = tpu.memref_slice %arg9[%dma_wait3A_30] : memref<288xi32, #tpu.memory_space<vmem>> -> memref<96xi32, #tpu.memory_space<vmem>>
    %dma_wait3A_32 = arith.constant 0 : i32
    %dma_wait3A_33 = arith.constant 0 : i32
    %dma_wait3A_34 = tpu.memref_slice %arg3[%dma_wait3A_32, %dma_wait3A_33] : memref<1024x128xf32, #tpu.memory_space<hbm>> -> memref<1024x128xf32, #tpu.memory_space<hbm>>
    tpu.wait_indirect_dma semaphore(%arg18 : memref<!tpu.dma_semaphore, #tpu.memory_space<semaphore_mem>>) src(%dma_wait3A_34 : memref<1024x128xf32, #tpu.memory_space<hbm>>) dst(%dma_wait3A_29 : memref<96x128xf32, #tpu.memory_space<vmem>>)
    %dma_wait3A_35 = arith.constant 96 : i32
    %dma_wait3A_36 = arith.constant 0 : i32
    %dma_wait3A_37 = tpu.memref_slice %arg10[%dma_wait3A_35, %dma_wait3A_36] : memref<288x128xf32, #tpu.memory_space<vmem>> -> memref<96x128xf32, #tpu.memory_space<vmem>>
    %dma_wait3A_38 = arith.constant 96 : i32
    %dma_wait3A_39 = tpu.memref_slice %arg9[%dma_wait3A_38] : memref<288xi32, #tpu.memory_space<vmem>> -> memref<96xi32, #tpu.memory_space<vmem>>
    %dma_wait3A_40 = arith.constant 0 : i32
    %dma_wait3A_41 = arith.constant 0 : i32
    %dma_wait3A_42 = tpu.memref_slice %arg3[%dma_wait3A_40, %dma_wait3A_41] : memref<1024x128xf32, #tpu.memory_space<hbm>> -> memref<1024x128xf32, #tpu.memory_space<hbm>>
    tpu.wait_indirect_dma semaphore(%arg18 : memref<!tpu.dma_semaphore, #tpu.memory_space<semaphore_mem>>) src(%dma_wait3A_42 : memref<1024x128xf32, #tpu.memory_space<hbm>>) dst(%dma_wait3A_37 : memref<96x128xf32, #tpu.memory_space<vmem>>)
    %dma_wait3A_43 = arith.constant 192 : i32
    %dma_wait3A_44 = arith.constant 0 : i32
    %dma_wait3A_45 = tpu.memref_slice %arg10[%dma_wait3A_43, %dma_wait3A_44] : memref<288x128xf32, #tpu.memory_space<vmem>> -> memref<96x128xf32, #tpu.memory_space<vmem>>
    %dma_wait3A_46 = arith.constant 192 : i32
    %dma_wait3A_47 = tpu.memref_slice %arg9[%dma_wait3A_46] : memref<288xi32, #tpu.memory_space<vmem>> -> memref<96xi32, #tpu.memory_space<vmem>>
    %dma_wait3A_48 = arith.constant 0 : i32
    %dma_wait3A_49 = arith.constant 0 : i32
    %dma_wait3A_50 = tpu.memref_slice %arg3[%dma_wait3A_48, %dma_wait3A_49] : memref<1024x128xf32, #tpu.memory_space<hbm>> -> memref<1024x128xf32, #tpu.memory_space<hbm>>
    tpu.wait_indirect_dma semaphore(%arg18 : memref<!tpu.dma_semaphore, #tpu.memory_space<semaphore_mem>>) src(%dma_wait3A_50 : memref<1024x128xf32, #tpu.memory_space<hbm>>) dst(%dma_wait3A_45 : memref<96x128xf32, #tpu.memory_space<vmem>>)
    %jit3A = arith.constant 2 : i32
    %div3A = arith.divsi %add3A, %jit3A : i32
    %sign3A = arith.constant 0 : i32
    %sign3A_51 = arith.cmpi sgt, %add3A, %sign3A : i32
    %sign3A_52 = arith.extui %sign3A_51 : i1 to i32
    %sign3A_53 = arith.constant 0 : i32
    %sign3A_54 = arith.cmpi slt, %add3A, %sign3A_53 : i32
    %sign3A_55 = arith.extui %sign3A_54 : i1 to i32
    %sign3A_56 = arith.subi %sign3A_52, %sign3A_55 : i32
    %sign3A_57 = arith.constant 0 : i32
    %sign3A_58 = arith.cmpi sgt, %jit3A, %sign3A_57 : i32
    %sign3A_59 = arith.extui %sign3A_58 : i1 to i32
    %sign3A_60 = arith.constant 0 : i32
    %sign3A_61 = arith.cmpi slt, %jit3A, %sign3A_60 : i32
    %sign3A_62 = arith.extui %sign3A_61 : i1 to i32
    %sign3A_63 = arith.subi %sign3A_59, %sign3A_62 : i32
    %ne3A = arith.cmpi ne, %sign3A_56, %sign3A_63 : i32
    %rem3A = arith.remsi %add3A, %jit3A : i32
    %ne3A_64 = arith.constant 0 : i32
    %ne3A_65 = arith.cmpi ne, %rem3A, %ne3A_64 : i32
    %and3A = arith.andi %ne3A, %ne3A_65 : i1
    %sub3A = arith.constant 1 : i32
    %sub3A_66 = arith.subi %div3A, %sub3A : i32
    %select_n3A = arith.select %and3A, %sub3A_66, %div3A : i32
    %jit3A_67 = arith.constant 2 : i32
    %eq3A_68 = arith.constant 0 : i32
    %eq3A_69 = arith.cmpi eq, %jit3A_67, %eq3A_68 : i32
    %jit3A_70 = arith.constant 1 : i32
    %select_n3A_71 = arith.select %eq3A_69, %jit3A_70, %jit3A_67 : i32
    %rem3A_72 = arith.remsi %add3A, %select_n3A_71 : i32
    %ne3A_73 = arith.constant 0 : i32
    %ne3A_74 = arith.cmpi ne, %rem3A_72, %ne3A_73 : i32
    %lt3A = arith.constant 0 : i32
    %lt3A_75 = arith.cmpi slt, %rem3A_72, %lt3A : i32
    %lt3A_76 = arith.constant 0 : i32
    %lt3A_77 = arith.cmpi slt, %select_n3A_71, %lt3A_76 : i32
    %ne3A_78 = arith.xori %lt3A_75, %lt3A_77 : i1
    %and3A_79 = arith.andi %ne3A_78, %ne3A_74 : i1
    %add3A_80 = arith.addi %rem3A_72, %select_n3A_71 : i32
    %select_n3A_81 = arith.select %and3A_79, %add3A_80, %rem3A_72 : i32
    %mul3A_82 = arith.constant 288 : i32
    %mul3A_83 = arith.muli %select_n3A_81, %mul3A_82 : i32
    "tpu.region"() ({
      %run_scoped3A = tpu.sem_alloc : memref<!tpu.dma_semaphore, #tpu.memory_space<semaphore_mem>>
      %dma_start3A_84 = arith.constant 0 : i32
      %dma_start3A_85 = tpu.memref_slice %arg7[%select_n3A, %mul3A_83, %dma_start3A_84] : memref<16x576x128xf32, #tpu.memory_space<hbm>> -> memref<1x288x128xf32, #tpu.memory_space<hbm>>
      %dma_start3A_86 = tpu.memref_squeeze %dma_start3A_85 : memref<1x288x128xf32, #tpu.memory_space<hbm>> -> memref<288x128xf32, #tpu.memory_space<hbm>>
      %dma_start3A_87 = arith.constant 0 : i32
      %dma_start3A_88 = tpu.memref_slice %arg7[%select_n3A, %mul3A_83, %dma_start3A_87] : memref<16x576x128xf32, #tpu.memory_space<hbm>> -> memref<1x288x128xf32, #tpu.memory_space<hbm>>
      %dma_start3A_89 = tpu.memref_squeeze %dma_start3A_88 : memref<1x288x128xf32, #tpu.memory_space<hbm>> -> memref<288x128xf32, #tpu.memory_space<hbm>>
      tpu.enqueue_dma source(%arg10 : memref<288x128xf32, #tpu.memory_space<vmem>>) target(%dma_start3A_89 : memref<288x128xf32, #tpu.memory_space<hbm>>) target_semaphore(%run_scoped3A : memref<!tpu.dma_semaphore, #tpu.memory_space<semaphore_mem>>)
      %dma_wait3A_90 = arith.constant 0 : i32
      %dma_wait3A_91 = tpu.memref_slice %arg7[%select_n3A, %mul3A_83, %dma_wait3A_90] : memref<16x576x128xf32, #tpu.memory_space<hbm>> -> memref<1x288x128xf32, #tpu.memory_space<hbm>>
      %dma_wait3A_92 = tpu.memref_squeeze %dma_wait3A_91 : memref<1x288x128xf32, #tpu.memory_space<hbm>> -> memref<288x128xf32, #tpu.memory_space<hbm>>
      %dma_wait3A_93 = arith.constant 0 : i32
      %dma_wait3A_94 = tpu.memref_slice %arg7[%select_n3A, %mul3A_83, %dma_wait3A_93] : memref<16x576x128xf32, #tpu.memory_space<hbm>> -> memref<1x288x128xf32, #tpu.memory_space<hbm>>
      %dma_wait3A_95 = tpu.memref_squeeze %dma_wait3A_94 : memref<1x288x128xf32, #tpu.memory_space<hbm>> -> memref<288x128xf32, #tpu.memory_space<hbm>>
      tpu.wait_dma2 semaphore(%run_scoped3A : memref<!tpu.dma_semaphore, #tpu.memory_space<semaphore_mem>>) src(%arg10 : memref<288x128xf32, #tpu.memory_space<vmem>>) dst(%dma_wait3A_95 : memref<288x128xf32, #tpu.memory_space<hbm>>)
      tpu.yield
    }) : () -> ()
    return
  }
}

module attributes {stable_mosaic.version = 14 : i64} {
  func.func @_tc_body(%arg0: i32, %arg1: memref<512x64xf32, #tpu.memory_space<vmem>>, %arg2: memref<64x1024xf32, #tpu.memory_space<vmem>>, %arg3: memref<512xi32, #tpu.memory_space<vmem>>) attributes {dimension_semantics = [#tpu.dimension_semantics<arbitrary>], iteration_bounds = array<i64: 18>, scalar_prefetch = 0 : i64, scratch_operands = 0 : i64, tpu.core_type = #tpu.core_type<tc>, window_params = [{transform_indices = @transform_0, window_bounds = array<i64: 512, 64>}, {pipeline_mode = #tpu.pipeline_mode<synchronous>, transform_indices = @transform_1, window_bounds = array<i64: 64, 1024>}, {transform_indices = @transform_2, window_bounds = array<i64: 512>}]} {
    %get3A = arith.constant 0 : index
    %get3A_0 = arith.constant 0 : index
    %get3A_1 = vector.load %arg1[%get3A, %get3A_0] : memref<512x64xf32, #tpu.memory_space<vmem>>, vector<512x64xf32>
    %get3A_2 = arith.constant 0 : index
    %get3A_3 = arith.constant 0 : index
    %get3A_4 = vector.load %arg2[%get3A_2, %get3A_3] : memref<64x1024xf32, #tpu.memory_space<vmem>>, vector<64x1024xf32>
    %mul3A = arith.mulf %get3A_1, %get3A_1 : vector<512x64xf32>
    %slice3A = vector.extract_strided_slice %mul3A {offsets = [0, 0], sizes = [512, 8], strides = [1, 1]} : vector<512x64xf32> to vector<512x8xf32>
    %slice3A_5 = vector.extract_strided_slice %mul3A {offsets = [0, 8], sizes = [512, 8], strides = [1, 1]} : vector<512x64xf32> to vector<512x8xf32>
    %add3A = arith.addf %slice3A, %slice3A_5 : vector<512x8xf32>
    %slice3A_6 = vector.extract_strided_slice %mul3A {offsets = [0, 16], sizes = [512, 8], strides = [1, 1]} : vector<512x64xf32> to vector<512x8xf32>
    %add3A_7 = arith.addf %add3A, %slice3A_6 : vector<512x8xf32>
    %slice3A_8 = vector.extract_strided_slice %mul3A {offsets = [0, 24], sizes = [512, 8], strides = [1, 1]} : vector<512x64xf32> to vector<512x8xf32>
    %add3A_9 = arith.addf %add3A_7, %slice3A_8 : vector<512x8xf32>
    %slice3A_10 = vector.extract_strided_slice %mul3A {offsets = [0, 32], sizes = [512, 8], strides = [1, 1]} : vector<512x64xf32> to vector<512x8xf32>
    %add3A_11 = arith.addf %add3A_9, %slice3A_10 : vector<512x8xf32>
    %slice3A_12 = vector.extract_strided_slice %mul3A {offsets = [0, 40], sizes = [512, 8], strides = [1, 1]} : vector<512x64xf32> to vector<512x8xf32>
    %add3A_13 = arith.addf %add3A_11, %slice3A_12 : vector<512x8xf32>
    %slice3A_14 = vector.extract_strided_slice %mul3A {offsets = [0, 48], sizes = [512, 8], strides = [1, 1]} : vector<512x64xf32> to vector<512x8xf32>
    %add3A_15 = arith.addf %add3A_13, %slice3A_14 : vector<512x8xf32>
    %slice3A_16 = vector.extract_strided_slice %mul3A {offsets = [0, 56], sizes = [512, 8], strides = [1, 1]} : vector<512x64xf32> to vector<512x8xf32>
    %add3A_17 = arith.addf %add3A_15, %slice3A_16 : vector<512x8xf32>
    %slice3A_18 = vector.extract_strided_slice %add3A_17 {offsets = [0, 0], sizes = [512, 4], strides = [1, 1]} : vector<512x8xf32> to vector<512x4xf32>
    %slice3A_19 = vector.extract_strided_slice %add3A_17 {offsets = [0, 4], sizes = [512, 4], strides = [1, 1]} : vector<512x8xf32> to vector<512x4xf32>
    %add3A_20 = arith.addf %slice3A_18, %slice3A_19 : vector<512x4xf32>
    %slice3A_21 = vector.extract_strided_slice %add3A_20 {offsets = [0, 0], sizes = [512, 2], strides = [1, 1]} : vector<512x4xf32> to vector<512x2xf32>
    %slice3A_22 = vector.extract_strided_slice %add3A_20 {offsets = [0, 2], sizes = [512, 2], strides = [1, 1]} : vector<512x4xf32> to vector<512x2xf32>
    %add3A_23 = arith.addf %slice3A_21, %slice3A_22 : vector<512x2xf32>
    %slice3A_24 = vector.extract_strided_slice %add3A_23 {offsets = [0, 0], sizes = [512, 1], strides = [1, 1]} : vector<512x2xf32> to vector<512x1xf32>
    %slice3A_25 = vector.extract_strided_slice %add3A_23 {offsets = [0, 1], sizes = [512, 1], strides = [1, 1]} : vector<512x2xf32> to vector<512x1xf32>
    %add3A_26 = arith.addf %slice3A_24, %slice3A_25 : vector<512x1xf32>
    %mul3A_27 = arith.mulf %get3A_4, %get3A_4 : vector<64x1024xf32>
    %slice3A_28 = vector.extract_strided_slice %mul3A_27 {offsets = [0, 0], sizes = [8, 1024], strides = [1, 1]} : vector<64x1024xf32> to vector<8x1024xf32>
    %slice3A_29 = vector.extract_strided_slice %mul3A_27 {offsets = [8, 0], sizes = [8, 1024], strides = [1, 1]} : vector<64x1024xf32> to vector<8x1024xf32>
    %add3A_30 = arith.addf %slice3A_28, %slice3A_29 : vector<8x1024xf32>
    %slice3A_31 = vector.extract_strided_slice %mul3A_27 {offsets = [16, 0], sizes = [8, 1024], strides = [1, 1]} : vector<64x1024xf32> to vector<8x1024xf32>
    %add3A_32 = arith.addf %add3A_30, %slice3A_31 : vector<8x1024xf32>
    %slice3A_33 = vector.extract_strided_slice %mul3A_27 {offsets = [24, 0], sizes = [8, 1024], strides = [1, 1]} : vector<64x1024xf32> to vector<8x1024xf32>
    %add3A_34 = arith.addf %add3A_32, %slice3A_33 : vector<8x1024xf32>
    %slice3A_35 = vector.extract_strided_slice %mul3A_27 {offsets = [32, 0], sizes = [8, 1024], strides = [1, 1]} : vector<64x1024xf32> to vector<8x1024xf32>
    %add3A_36 = arith.addf %add3A_34, %slice3A_35 : vector<8x1024xf32>
    %slice3A_37 = vector.extract_strided_slice %mul3A_27 {offsets = [40, 0], sizes = [8, 1024], strides = [1, 1]} : vector<64x1024xf32> to vector<8x1024xf32>
    %add3A_38 = arith.addf %add3A_36, %slice3A_37 : vector<8x1024xf32>
    %slice3A_39 = vector.extract_strided_slice %mul3A_27 {offsets = [48, 0], sizes = [8, 1024], strides = [1, 1]} : vector<64x1024xf32> to vector<8x1024xf32>
    %add3A_40 = arith.addf %add3A_38, %slice3A_39 : vector<8x1024xf32>
    %slice3A_41 = vector.extract_strided_slice %mul3A_27 {offsets = [56, 0], sizes = [8, 1024], strides = [1, 1]} : vector<64x1024xf32> to vector<8x1024xf32>
    %add3A_42 = arith.addf %add3A_40, %slice3A_41 : vector<8x1024xf32>
    %slice3A_43 = vector.extract_strided_slice %add3A_42 {offsets = [0, 0], sizes = [4, 1024], strides = [1, 1]} : vector<8x1024xf32> to vector<4x1024xf32>
    %slice3A_44 = vector.extract_strided_slice %add3A_42 {offsets = [4, 0], sizes = [4, 1024], strides = [1, 1]} : vector<8x1024xf32> to vector<4x1024xf32>
    %add3A_45 = arith.addf %slice3A_43, %slice3A_44 : vector<4x1024xf32>
    %slice3A_46 = vector.extract_strided_slice %add3A_45 {offsets = [0, 0], sizes = [2, 1024], strides = [1, 1]} : vector<4x1024xf32> to vector<2x1024xf32>
    %slice3A_47 = vector.extract_strided_slice %add3A_45 {offsets = [2, 0], sizes = [2, 1024], strides = [1, 1]} : vector<4x1024xf32> to vector<2x1024xf32>
    %add3A_48 = arith.addf %slice3A_46, %slice3A_47 : vector<2x1024xf32>
    %slice3A_49 = vector.extract_strided_slice %add3A_48 {offsets = [0, 0], sizes = [1, 1024], strides = [1, 1]} : vector<2x1024xf32> to vector<1x1024xf32>
    %slice3A_50 = vector.extract_strided_slice %add3A_48 {offsets = [1, 0], sizes = [1, 1024], strides = [1, 1]} : vector<2x1024xf32> to vector<1x1024xf32>
    %add3A_51 = arith.addf %slice3A_49, %slice3A_50 : vector<1x1024xf32>
    %dot_general3A = arith.constant dense<0.000000e+00> : vector<512x1024xf32>
    %dot_general3A_52 = tpu.matmul %get3A_1, %get3A_4, %dot_general3A {dimension_numbers = #tpu.dot_dimension_numbers<[1], [0], [0], [1], [0, 0, 1, 1], [], []>, transpose_lhs_hint = false} : vector<512x64xf32>, vector<64x1024xf32>, vector<512x1024xf32> -> vector<512x1024xf32>
    %mul3A_53 = arith.constant 2.000000e+00 : f32
    %mul3A_54 = vector.broadcast %mul3A_53 : f32 to vector<512x1024xf32>
    %mul3A_55 = arith.mulf %mul3A_54, %dot_general3A_52 : vector<512x1024xf32>
    %sub3A = vector.broadcast %add3A_26 : vector<512x1xf32> to vector<512x1024xf32>
    %sub3A_56 = arith.subf %sub3A, %mul3A_55 : vector<512x1024xf32>
    %add3A_57 = vector.broadcast %add3A_51 : vector<1x1024xf32> to vector<512x1024xf32>
    %add3A_58 = arith.addf %sub3A_56, %add3A_57 : vector<512x1024xf32>
    %reduce_min3A = arith.constant dense<0x7F800000> : vector<512xf32>
    %reduce_min3A_59 = vector.multi_reduction <minimumf>, %add3A_58, %reduce_min3A [1] : vector<512x1024xf32> to vector<512xf32>
    %broadcast_in_dim3A = vector.shape_cast %reduce_min3A_59 : vector<512xf32> to vector<512x1xf32>
    %iota3A = tpu.iota {dimensions = array<i32: 1>} : vector<512x1024xi32>
    %convert_element_type3A = arith.sitofp %iota3A : vector<512x1024xi32> to vector<512x1024xf32>
    %eq3A = vector.broadcast %broadcast_in_dim3A : vector<512x1xf32> to vector<512x1024xf32>
    %eq3A_60 = arith.cmpf oeq, %add3A_58, %eq3A : vector<512x1024xf32>
    %jit3A = arith.constant 1.024000e+03 : f32
    %broadcast_in_dim3A_61 = vector.broadcast %jit3A : f32 to vector<512x1024xf32>
    %select_n3A = arith.select %eq3A_60, %convert_element_type3A, %broadcast_in_dim3A_61 : vector<512x1024xi1>, vector<512x1024xf32>
    %reduce_min3A_62 = arith.constant dense<0x7F800000> : vector<512xf32>
    %reduce_min3A_63 = vector.multi_reduction <minimumf>, %select_n3A, %reduce_min3A_62 [1] : vector<512x1024xf32> to vector<512xf32>
    %convert_element_type3A_64 = arith.fptosi %reduce_min3A_63 : vector<512xf32> to vector<512xi32>
    %swap3A = arith.constant 0 : index
    %swap3A_65 = vector.load %arg3[%swap3A] : memref<512xi32, #tpu.memory_space<vmem>>, vector<512xi32>
    tpu.vector_store %arg3[%swap3A], %convert_element_type3A_64 {strides = array<i32>} : memref<512xi32, #tpu.memory_space<vmem>>, vector<512xi32>,
    return
  }
  func.func @transform_0(%arg0: i32) -> (i32, i32) {
    %c0_i32 = arith.constant 0 : i32
    %c0_i32_0 = arith.constant 0 : i32
    return %arg0, %c0_i32 : i32, i32
  }
  func.func @transform_1(%arg0: i32) -> (i32, i32) {
    %c0_i32 = arith.constant 0 : i32
    %c0_i32_0 = arith.constant 0 : i32
    %c0_i32_1 = arith.constant 0 : i32
    return %c0_i32, %c0_i32_0 : i32, i32
  }
  func.func @transform_2(%arg0: i32) -> i32 {
    %c0_i32 = arith.constant 0 : i32
    return %arg0 : i32
  }
}

</mosaic_0001>

<sc_bundles>
// kernel: kernel.4.cloned.1.call-start
scs
__scs_entry_jumppad:
0x0: {  	(pc) =	sbr.rel $0x88, $3  }
0x1: {  	(tag) =	ssettag $0x0;
	lr =	simm.s32 $0x1  }
0x2: {  	[smem:$0x3F9E] =	sst lr;
	_ =	strace $0xD0000000  }
0x3: {  	_ = 	snop  }
0x4: {  	_ = 	snop  }
0x5: {  	_ = 	snop  }
0x6: {  	_ = 	snop  }
0x7: {  	_ = 	snop  }
__scs_overlays_trampoline_lowered:
0x8: {  	[smem:$0x3FAD] =	sst s0  }
0x9: {  	[smem:$0x3FAE] =	sst s1  }
0xa: {  	[smem:$0x3FAF] =	sst s2  }
0xb: {  	[smem:$0x3FB0] =	sst s3  }
0xc: {  	[smem:$0x3FB1] =	sst s4  }
0xd: {  	[smem:$0x3FB2] =	sst s5  }
0xe: {  	[smem:$0x3FB3] =	sst s6  }
0xf: {  	[smem:$0x3FB4] =	sst s7  }
0x10: {  	[smem:$0x3FB5] =	sst s8  }
0x11: {  	[smem:$0x3FB6] =	sst s9;
	s0 =	simm.s32 @!p0 $0x0  }
0x12: {  	s1 =	sld [smem:$0x3F9C];
	s0 =	simm.s32 @p0 $0x1  }
0x13: {  	[smem:$0x3FB7] =	sst s0;
	s0 =	simm.s32 @!p1 $0x0  }
0x14: {  	s2 =	sld [smem:$0x3F9B];
	s0 =	simm.s32 @p1 $0x1  }
0x15: {  	[smem:$0x3FB8] =	sst s0;
	s0 =	simm.s32 @!p2 $0x0  }
0x16: {  	s3 =	sld [smem:$0x3FDB];
	s0 =	simm.s32 @p2 $0x1  }
0x17: {  	s4 =	simm.s32 $0x1BF5;
	[smem:$0x3FBA] =	sst s0  }
0x18: {  	s0 =	sld [smem:$0x3F9D];
	_ =	swait.ge [sflag:s4], $0x0  }
0x19: {  	s7 =	sld [smem:$0x3F9E]  }
0x1a: {  	s8 =	sadd.s32 $0xFFFFE003, lr  }
0x1b: {  	s9 =	sadd.s32 $0xFFFFFEF7, lr;
	s5 =	simm.s32 $0xFFFFFFFF;
	p2 =	slt.u32 s8, $0xFFFFF086  }
0x1c: {  	p1 =	slt.u32 s9, $0xF7A;
	s5 =	simm.s32 @!p2 $0x0  }
0x1d: {  	s5 =	simm.s32 @p1 $0x1;
	p0 =	seq.s32 s7, s2  }
0x1e: {  	s7 =	smul.u32 @!p0 $0xF7A, s2;
	p2 =	seq.s32 @!p0 s5, $0x0  }
0x1f: {  	s9 =	smul.u32 $0xF7A, s1;
	s8 =	simm.s32 @!p0 $0x1BF5;
	p2 =	por !p2, p0  }
0x20: {  	[sflag:s8] =	ssyncset.s32 @!p0 $0xFFFFF086;
	s6 =	sadd.s32 @!p0 s3, s7;
	s7 =	simm.s32 @!p0 $0x108  }
0x21: {  	s3 =	sadd.s32 s3, s9;
	s6 =	sadd.s32 @!p0 $0x88, s6;
	s7 =	simm.s32 @p2 $0x1082  }
0x22: {  	[simem:s7], [sflag:s8] =	dma.local @!p0 [hbm:s6], $0xF7A  }
0x23: {  	s9 =	sor.u32 $0xD0000000, s2;
	s6 =	simm.s32 $0x108;
	_ =	swait.ge @!p0 [sflag:s8], $0x0  }
0x24: {  	s3 =	sadd.s32 $0x88, s3;
	s6 =	simm.s32 @!p1 $0x1082;
	[sflag:s4] =	ssyncset.s32 $0xFFFFF086  }
0x25: {  	[simem:s6], [sflag:s4] =	dma.local [hbm:s3], $0xF7A  }
0x26: {  	[smem:$0x3F9E] =	sst s1;
	(tag) =	ssettag s2;
	_ =	strace s9  }
0x27: {  	s1 =	sld [smem:$0x3FAE]  }
0x28: {  	s2 =	sld [smem:$0x3FAF]  }
0x29: {  	s4 =	sld [smem:$0x3FB1]  }
0x2a: {  	p0 =	seq.s32 s5, $0x0;
	s5 =	sld [smem:$0x3FB2]  }
0x2b: {  	s6 =	sld [smem:$0x3FB3]  }
0x2c: {  	s7 =	sld [smem:$0x3FB4]  }
0x2d: {  	s3 =	simm.s32 $0x108;
	s8 =	sld [smem:$0x3FB5]  }
0x2e: {  	s3 =	simm.s32 @!p0 $0x1082;
	s9 =	sld [smem:$0x3FB6]  }
0x2f: {  	lr =	sadd.s32 s0, s3;
	s0 =	sld [smem:$0x3FAD]  }
0x30: {  	s3 =	sld [smem:$0x3FB0]  }
0x31: {  	[smem:$0x3FB9] =	sst s10  }
0x32: {  	s10 =	sld [smem:$0x3FB7];
	_ =	sdelay $0x3  }
0x33: {  	p0 =	seq.s32 s10, $0x1;
	s10 =	sld [smem:$0x3FB9];
	_ =	sdelay $0x3  }
0x34: {  	[smem:$0x3FB9] =	sst s10  }
0x35: {  	s10 =	sld [smem:$0x3FB8];
	_ =	sdelay $0x3  }
0x36: {  	p1 =	seq.s32 s10, $0x1;
	s10 =	sld [smem:$0x3FB9];
	_ =	sdelay $0x3  }
0x37: {  	[smem:$0x3FB9] =	sst s10  }
0x38: {  	s10 =	sld [smem:$0x3FBA]  }
0x39: {  	_ = 	snop;
	(pc) =	sbr.ind lr, $3  }
0x3a: {  	_ = 	snop  }
0x3b: {  	_ = 	snop  }
0x3c: {  	p2 =	seq.s32 s10, $0x1;
	s10 =	sld [smem:$0x3FB9]  }
0x3d: {  	_ =	shalt  }
0x3e: {  	_ =	shalt  }
0x3f: {  	_ =	shalt  }
0x40: {  	_ =	shalt  }
0x41: {  	_ =	shalt  }
0x42: {  	_ =	shalt  }
0x43: {  	_ =	shalt  }
0x44: {  	_ =	shalt  }
0x45: {  	_ =	shalt  }
0x46: {  	_ =	shalt  }
0x47: {  	_ =	shalt  }
0x48: {  	_ =	shalt  }
0x49: {  	_ =	shalt  }
0x4a: {  	_ =	shalt  }
0x4b: {  	_ =	shalt  }
0x4c: {  	_ =	shalt  }
0x4d: {  	_ =	shalt  }
0x4e: {  	_ =	shalt  }
0x4f: {  	_ =	shalt  }
0x50: {  	_ =	shalt  }
0x51: {  	_ =	shalt  }
0x52: {  	_ =	shalt  }
0x53: {  	_ =	shalt  }
0x54: {  	_ =	shalt  }
0x55: {  	_ =	shalt  }
0x56: {  	_ =	shalt  }
0x57: {  	_ =	shalt  }
0x58: {  	_ =	shalt  }
0x59: {  	_ =	shalt  }
0x5a: {  	_ =	shalt  }
0x5b: {  	_ =	shalt  }
0x5c: {  	_ =	shalt  }
0x5d: {  	_ =	shalt  }
0x5e: {  	_ =	shalt  }
0x5f: {  	_ =	shalt  }
0x60: {  	_ =	shalt  }
0x61: {  	_ =	shalt  }
0x62: {  	_ =	shalt  }
0x63: {  	_ =	shalt  }
0x64: {  	_ =	shalt  }
0x65: {  	_ =	shalt  }
0x66: {  	_ =	shalt  }
0x67: {  	_ =	shalt  }
0x68: {  	_ =	shalt  }
0x69: {  	_ =	shalt  }
0x6a: {  	_ =	shalt  }
0x6b: {  	_ =	shalt  }
0x6c: {  	_ =	shalt  }
0x6d: {  	_ =	shalt  }
0x6e: {  	_ =	shalt  }
0x6f: {  	_ =	shalt  }
0x70: {  	_ =	shalt  }
0x71: {  	_ =	shalt  }
0x72: {  	_ =	shalt  }
0x73: {  	_ =	shalt  }
0x74: {  	_ =	shalt  }
0x75: {  	_ =	shalt  }
0x76: {  	_ =	shalt  }
0x77: {  	_ =	shalt  }
0x78: {  	_ =	shalt  }
0x79: {  	_ =	shalt  }
0x7a: {  	_ =	shalt  }
0x7b: {  	_ =	shalt  }
0x7c: {  	_ =	shalt  }
0x7d: {  	_ =	shalt  }
0x7e: {  	_ =	shalt  }
0x7f: {  	_ =	shalt  }
0x80: {  	_ =	shalt  }
0x81: {  	_ =	shalt  }
0x82: {  	_ =	shalt  }
0x83: {  	_ =	shalt  }
0x84: {  	_ =	shalt  }
0x85: {  	_ =	shalt  }
0x86: {  	_ =	shalt  }
0x87: {  	_ =	shalt  }
.Lfunc_end0:
.L_simem_size_0:
called_computation_lowered:
.L_overlay_start_0:
0x88: {  	s2 =	sld [smem:$0x3FD9]  }
0x89: {  	s3 =	sld [smem:$0x3FFE];
	_ =	sdelay $0x1  }
0x8a: {  	s1 =	srdreg.scid  }
0x8b: {  	s0 =	sand.u32 $0x1, s1  }
0x8c: {  	s14 =	sshll.u32 s0, $0xA;
	s2 =	sadd.s32 s3, s2  }
0x8d: {  	s2 =	sadd.s32 s2, s14  }
0x8e: {  	[smem:$0x3FC5] =	sst s2  }
0x8f: {  	_ = 	snop  }
0x90: {  	s2 =	sld [smem:$0x3FD0];
	_ =	sdelay $0x2  }
0x91: {  	s4 =	simm.s32 $0xA;
	s5 =	simm.s32 $0x10;
	s15 =	sld [smem:$0x3FC7]  }
0x92: {  	[smem:s5], [sflag:s4] =	dma.local [hbm:s2], $0x1  }
0x93: {  	_ =	swait.eq [sflag:s4], $0x1  }
0x94: {  	s16 =	sld [smem:$0x10];
	[sflag:s4] =	ssyncset.done $0x0  }
0x95: {  	s17 =	sld [smem:$0x11];
	[sflag:s4] =	ssyncadd.s32 $0xFFFFFFFF  }
0x96: {  	s18 =	sld [smem:$0x12];
	(tm) =	ssettm $0x1  }
0x97: {  	s6 =	sld [smem:$0x3FFB];
	_ =	sdelay $0x3  }
0x98: {  	_ =	strace s6  }
0x99: {  	s6 =	sld [smem:$0x3FFC];
	_ =	sdelay $0x3  }
0x9a: {  	_ =	strace s6  }
0x9b: {  	s6 =	sld [smem:$0x3FFD];
	_ =	sdelay $0x3  }
0x9c: {  	_ =	strace s6  }
0x9d: {  	_ =	strace $0x8FFFFFFF  }
0x9e: {  	s19 =	sld [smem:$0x3FDB];
	_ =	sdelay $0x1  }
0x9f: {  	s7 =	simm.s32 $_scs_section_size  }
0xa0: {  	s8 =	simm.s32 $_size__tile_overlayer_lowered;
	s9 =	simm.s32 $_tile_overlayer_lowered  }
0xa1: {  	s22 =	simm.s32 $0x1BFF;
	s21 =	sshll.u32 s9, $0x1;
	s6 =	sadd.s32 s7, s19  }
0xa2: {  	s10 =	simm.s32 $0x0;
	s20 =	sshll.u32 s8, $0x1;
	s8 =	sadd.s32 s21, s6  }
0xa3: {  	[timem:s10], [sflag:s22] =	dma.local [hbm:s8], s20  }
0xa4: {  	_ =	swait.ge [sflag:s22], s20  }
0xa5: {  	s7 =	ssub.s32 $0x0, s20;
	[sflag:s22] =	ssyncset.done $0x0  }
0xa6: {  	[sflag:s22] =	ssyncadd.s32 s7;
	_ =	sdelay $0x1  }
0xa7: {  	s23 =	simm.s32 $0x1B8B  }
0xa8: {  	_ =	swait.ge [sflag:s23], $0x1  }
0xa9: {  	[sflag:s23] =	ssyncset.done $0x0  }
0xaa: {  	s25 =	simm.s32 $0x1B8E;
	s24 =	sld [smem:$0x3FFE];
	[sflag:s23] =	ssyncadd.s32 $0xFFFFFFFF  }
0xab: {  	s26 =	simm.s32 $execute0_lowered;
	[smem:$0x3FD2] =	sst s25  }
0xac: {  	s8 =	sshll.u32 s26, $0x1;
	_ =	strace $0x80000046;
	[dreg:$0x1] =	wrdreg $0xFFFFFFFF  }
0xad: {  	s28 =	simm.s32 $_size_execute0_lowered;
	s6 =	sadd.s32 s6, s8;
	[dreg:$0x0] =	wrdreg $0x0  }
0xae: {  	s8 =	sshll.u32 s28, $0x1;
	[dreg:$0x2] =	wrdreg s6  }
0xaf: {  	[dreg:$0x3] =	wrdreg s8  }
0xb0: {  	[dreg:$0x4] =	wrdreg $0xC0  }
0xb1: {  	_ =	task [dreg:s10], $0x5FFFF  }
0xb2: {  	[dreg:$0x1] =	wrdreg $0xFFFFFFFF  }
0xb3: {  	[dreg:$0x0] =	wrdreg $0x60  }
0xb4: {  	[dreg:$0x2] =	wrdreg s16  }
0xb5: {  	[dreg:$0x3] =	wrdreg s18  }
0xb6: {  	[dreg:$0x4] =	wrdreg s15  }
0xb7: {  	[dreg:$0x5] =	wrdreg s24  }
0xb8: {  	[dreg:$0x6] =	wrdreg s17  }
0xb9: {  	[dreg:$0x7] =	wrdreg $0xA1E00  }
0xba: {  	[dreg:$0x8] =	wrdreg $0x9  }
0xbb: {  	_ =	task.clear_ibuf [dreg:s10], $0x9FFFF;
	_ =	strace $0x90000046  }
0xbc: {  	s29 =	simm.s32 $0x9;
	_ =	strace $0x80000048  }
0xbd: {  	_ =	swait.ge [sflag:s29], $0x1  }
0xbe: {  	[sflag:s29] =	ssyncadd.s32 $0xFFFFFFFF  }
0xbf: {  	_ =	strace $0x90000048  }
0xc0: {  	_ =	sfence  }
0xc1: {  	s30 =	sld [smem:$0x0];
	_ =	sdelay $0x2  }
0xc2: {  	s31 =	sshll.u32 s1, $0xD;
	s1 =	sshrl.u32 s1, $0x2  }
0xc3: {  	s3 =	sand.u32 $0x4000, s31;
	s1 =	sadd.s32 s1, s30  }
0xc4: {  	s0 =	sor.u32 s3, s0;
	s1 =	sshll.u32 s1, $0x11  }
0xc5: {  	s0 =	sor.u32 s1, s0  }
0xc6: {  	s0 =	sadd.s32 $0x8F2B, s0  }
0xc7: {  	[sflag:s0] =	ssyncadd.remote.s32 $0x1  }
0xc8: {  	_ =	sfence.sel $0xFFFF  }
0xc9: {  	[dreg:$0x0] =	wrdreg $0xFFFFFFFF;
	(pc) =	sbr.abs _section_cstart, $3  }
0xca: {  	[dreg:$0x1] =	wrdreg $0xFFFFFFFF  }
0xcb: {  	_ =	task.clear_ibuf [dreg:s10], $0x2FFFF;
	_ =	strace $0x9FFFFFFF  }
0xcc: {  	(tm) =	ssettm $0x7FFFFFFF  }
0xcd: {  	_ =	shalt  }
tec
execute0_lowered:
.L_overlay_start_1:
0x0: {  	(tag) =	ssettag $0x1  }
0x1: {  	s2 =	rddreg [dreg:$0x0]  }
0x2: {  	s1 =	rddreg [dreg:$0x1]  }
0x3: {  	s3 =	srdreg.scid;
	s11 =	rddreg [dreg:$0x2]  }
0x4: {  	s0 =	stileid.u32;
	s9 =	rddreg [dreg:$0x3]  }
0x5: {  	s12 =	rddreg [dreg:$0x4];
	s5 =	simm.s32 $0x1;
	s4 =	simm.s32 $0x0  }
0x6: {  	s13 =	simm.s32 $0x9000;
	s7 =	simm.s32 $0x1;
	s17 =	simm.s32 $0x120  }
0x7: {  	s18 =	simm.s32 $0x3120;
	s19 =	simm.s32 $0xC0;
	s20 =	simm.s32 $0x6120  }
0x8: {  	s21 =	simm.s32 $0x9960;
	s28 =	simm.s32 $0x98A0;
	s29 =	simm.s32 $0x9900  }
0x9: {  	s30 =	simm.s32 $0x9D60;
	s15 =	sand.u32 $0x1, s3;
	s3 =	rddreg [dreg:$0x5]  }
0xa: {  	s31 =	simm.s32 $0xA160;
	s22 =	sshll.u32 s0, $0x1;
	[smem:$0x7FF] =	sst s4  }
0xb: {  	s6 =	sadd.s32 $0xE00, s9;
	s24 =	smul.u32 $0x48, s0;
	s8 =	sor.u32 s15, s22  }
0xc: {  	s25 =	sshll.u32 s0, $0xA;
	p0 =	seq.s32 s15, $0x1;
	p1 =	seq.s32 s8, $0x0  }
0xd: {  	s26 =	sshll.u32 s0, $0x3;
	_ =	strace $0x80000047;
	p1 =	por !p1, !p0  }
0xe: {  	s23 =	ssub.s32 $0x2, s15;
	s11 =	sadd.s32 s11, s26;
	p1 =	por !p1, !p1  }
0xf: {  	s12 =	sadd.s32 s12, s26;
	s22 =	simm.s32 $0x9120;
	s5 =	simm.s32 @!p1 $0x0  }
0x10: {  	s26 =	simm.s32 $0x9840;
	s8 =	smul.u32 $0x24, s8;
	s5 =	ssub.s32 s0, s5  }
0x11: {  	s13 =	simm.s32 @!p0 $0x0;
	s14 =	sshrl.u32 s23, $0x1;
	s10 =	smul.u32 $0x12000, s5  }
0x12: {  	s14 =	ssub.s32 s23, s14;
	p0 =	sne.s32 s15, $0x0;
	s15 =	simm.s32 $0x2  }
.Ltmp0:
0x13: {  	vm0 =	vmmov $0x1;
	vm1 =	vmmov $0x3;
	vm2 =	vmmov $0x7;
	s23 =	simm.s32 $0x9720;
	s10 =	sadd.s32 s13, s10;
	(pc) =	sbr.rel .LBB2_1-.Ltmp0, $4  }
0x14: {  	vm3 =	vmmov $0xf;
	vm4 =	vmmov $0x1f;
	vm5 =	vmmov $0x3f;
	s8 =	sadd.s32 s2, s8;
	s14 =	smax.u32 s14, $0x1;
	s10 =	sshrl.u32 s10, $0x3  }
0x15: {  	vm6 =	vmmov $0x7f;
	vm7 =	vmmov $0xff;
	vm8 =	vmmov $0x1ff;
	s5 =	sadd.s32 $0x1000, s9;
	s16 =	sadd.s32 s10, s9;
	s9 =	sadd.s32 s25, s3  }
0x16: {  	vm9 =	vmmov $0x3ff;
	vm10 =	vmmov $0x7ff;
	vm11 =	vmmov $0xfff;
	s10 =	sadd.s32 s2, s24;
	s24 =	simm.s32 $0x9780;
	s25 =	simm.s32 $0x97E0  }
0x17: {  	vm12 =	vmmov $0x1fff;
	vm13 =	vmmov $0x3fff;
	vm14 =	vmmov $0x7fff;
	s2 =	simm.s32 $0xA1A0;
	s13 =	sadd.s32 $0x1200, s16;
	s16 =	simm.s32 $0x60  }
.LBB2_3:
0x18: {  	_ =	swait.ge [sflag:s7], $0x3000  }
0x19: {  	[sflag:s7] =	ssyncset.done $0x0  }
0x1a: {  	[sflag:s7] =	ssyncadd.s32 $0xFFFFD000  }
0x1b: {  	_ =	swait.ge [sflag:s7], $0x3000  }
0x1c: {  	[sflag:s7] =	ssyncset.done $0x0  }
0x1d: {  	[sflag:s7] =	ssyncadd.s32 $0xFFFFD000  }
0x1e: {  	s14 =	sadd.s32 $0xFFFFFFFF, s14;
	_ =	swait.ge [sflag:s7], $0x3000  }
0x1f: {  	p1 =	sne.s32 s14, $0x0;
	[sflag:s7] =	ssyncset.done $0x0  }
.Ltmp1:
0x20: {  	[sflag:s7] =	ssyncadd.s32 $0xFFFFD000;
	(pc) =	sbr.rel @!p1 .LBB2_4-.Ltmp1, $4  }
0x21: {  	[hbm4b:s13+s4] =	stream.linear.scatter [tilespmem:s17], [sflag:$0x2], $0x9000, $0x38;
	[tilespmem:$0xA5E0] =	vst v63  }
0x22: {  	_ =	swait.ge [sflag:s15], $0x9000  }
0x23: {  	[sflag:s15] =	ssyncset.done $0x0  }
0x24: {  	[sflag:s15] =	ssyncadd.s32 $0xFFFF7000  }
.LBB2_1:
0x25: {  	[tilespmem:s4], [sflag:$0x2] =	stream.linear.gather [hbm4b:s8+s4], $0x120, $0x38;
	[tilespmem:$0xA5E0] =	vst v63  }
0x26: {  	_ =	swait.ge [sflag:s15], $0x120  }
0x27: {  	[sflag:s15] =	ssyncset.done $0x0  }
0x28: {  	[sflag:s15] =	ssyncadd.s32 $0xFFFFFEE0  }
0x29: {  	[tilespmem:s17], [sflag:$0x1] =	stream.indirect.gather [hbm4b:s1+s16], $0x80, s4, s16, $0xb8;
	[tilespmem:$0xA5E0] =	vst v63  }
.Ltmp2:
0x2a: {  	_ = 	snop;
	(pc) =	sbr.rel @p0 .LBB2_3-.Ltmp2, $4  }
0x2b: {  	_ = 	snop  }
0x2c: {  	[tilespmem:s18], [sflag:$0x1] =	stream.indirect.gather [hbm4b:s1+s16], $0x80, s16, s16, $0xb8;
	[tilespmem:$0xA5E0] =	vst v63  }
0x2d: {  	_ = 	snop  }
0x2e: {  	[tilespmem:s20], [sflag:$0x1] =	stream.indirect.gather [hbm4b:s1+s16], $0x80, s19, s16, $0xb8;
	[tilespmem:$0xA5E0] =	vst v63  }
0x2f: {  	[tilespmem:s21], [sflag:$0x2] =	stream.linear.gather [hbm4b:s6+s4], $0x400, $0x38;
	[tilespmem:$0xA5E0] =	vst v63  }
0x30: {  	_ =	swait.ge [sflag:s15], $0x400  }
0x31: {  	[sflag:s15] =	ssyncset.done $0x0  }
0x32: {  	[sflag:s15] =	ssyncadd.s32 $0xFFFFFC00  }
0x33: {  	[spmem:s9] =	stream.linear.scatter [tilespmem:s21], [sflag:$0x2], $0x400, $0x38;
	[tilespmem:$0xA5E0] =	vst v63  }
0x34: {  	_ =	swait.ge [sflag:s15], $0x400  }
0x35: {  	[sflag:s15] =	ssyncset.done $0x0  }
0x36: {  	[sflag:s15] =	ssyncadd.s32 $0xFFFFFC00  }
0x37: {  	[tilespmem:s22], [sflag:$0x2] =	stream.linear.gather [hbm4b:s5+s4], $0x600, $0x38;
	[tilespmem:$0xA5E0] =	vst v63  }
0x38: {  	_ =	swait.ge [sflag:s15], $0x600  }
0x39: {  	[sflag:s15] =	ssyncset.done $0x0  }
0x3a: {  	[sflag:s15] =	ssyncadd.s32 $0xFFFFFA00  }
0x3b: {  	[tilespmem:s23], [sflag:$0x2] =	stream.linear.gather [hbm4b:s10+s4], $0x240, $0x38;
	[tilespmem:$0xA5E0] =	vst v63  }
0x3c: {  	_ =	swait.ge [sflag:s15], $0x240  }
0x3d: {  	[sflag:s15] =	ssyncset.done $0x0  }
0x3e: {  	[sflag:s15] =	ssyncadd.s32 $0xFFFFFDC0  }
0x3f: {  	[bflag:$0x0] =	sbarrier.arrive $0xFFFF  }
0x40: {  	[spmem:s3] =	stream.indirect.scatter.add.f32 [tilespmem:s22], [sflag:$0x2], $0x10, s23, s16, $0xb8;
	[tilespmem:$0xA5E0] =	vst v63  }
0x41: {  	_ =	swait.ge [sflag:s15], $0x600  }
0x42: {  	[sflag:s15] =	ssyncset.done $0x0  }
0x43: {  	[sflag:s15] =	ssyncadd.s32 $0xFFFFFA00  }
0x44: {  	[spmem:s3] =	stream.indirect.scatter.add.f32 [tilespmem:s22], [sflag:$0x2], $0x10, s24, s16, $0xb8;
	[tilespmem:$0xA5E0] =	vst v63  }
0x45: {  	_ =	swait.ge [sflag:s15], $0x600  }
0x46: {  	[sflag:s15] =	ssyncset.done $0x0  }
0x47: {  	[sflag:s15] =	ssyncadd.s32 $0xFFFFFA00  }
0x48: {  	[spmem:s3] =	stream.indirect.scatter.add.f32 [tilespmem:s22], [sflag:$0x2], $0x10, s25, s16, $0xb8;
	[tilespmem:$0xA5E0] =	vst v63  }
0x49: {  	_ =	swait.ge [sflag:s15], $0x600  }
0x4a: {  	[sflag:s15] =	ssyncset.done $0x0  }
0x4b: {  	[sflag:s15] =	ssyncadd.s32 $0xFFFFFA00  }
0x4c: {  	[spmem:s3] =	stream.indirect.scatter.add.f32 [tilespmem:s22], [sflag:$0x2], $0x10, s26, s16, $0xb8;
	[tilespmem:$0xA5E0] =	vst v63  }
0x4d: {  	_ =	swait.ge [sflag:s15], $0x600  }
0x4e: {  	[sflag:s15] =	ssyncset.done $0x0  }
0x4f: {  	[sflag:s15] =	ssyncadd.s32 $0xFFFFFA00  }
0x50: {  	[spmem:s3] =	stream.indirect.scatter.add.f32 [tilespmem:s22], [sflag:$0x2], $0x10, s28, s16, $0xb8;
	[tilespmem:$0xA5E0] =	vst v63  }
0x51: {  	_ =	swait.ge [sflag:s15], $0x600  }
0x52: {  	[sflag:s15] =	ssyncset.done $0x0  }
0x53: {  	[sflag:s15] =	ssyncadd.s32 $0xFFFFFA00  }
0x54: {  	[spmem:s3] =	stream.indirect.scatter.add.f32 [tilespmem:s22], [sflag:$0x2], $0x10, s29, s16, $0xb8;
	[tilespmem:$0xA5E0] =	vst v63  }
0x55: {  	_ =	swait.ge [sflag:s15], $0x600  }
0x56: {  	[sflag:s15] =	ssyncset.done $0x0  }
0x57: {  	[sflag:s15] =	ssyncadd.s32 $0xFFFFFA00  }
0x58: {  	[bflag:$0x0] =	sbarrier.arrive $0xFFFF  }
0x59: {  	[tilespmem:s30], [sflag:$0x2] =	stream.linear.gather [spmem:s9], $0x400, $0x38;
	[tilespmem:$0xA5E0] =	vst v63  }
0x5a: {  	_ =	swait.ge [sflag:s15], $0x400  }
0x5b: {  	[sflag:s15] =	ssyncset.done $0x0  }
0x5c: {  	[sflag:s15] =	ssyncadd.s32 $0xFFFFFC00  }
0x5d: {  	[tilespmem:s31], [sflag:$0x2] =	stream.linear.gather [hbm4b:s11+s4], $0x40, $0x38;
	[tilespmem:$0xA5E0] =	vst v63  }
0x5e: {  	_ =	swait.ge [sflag:s15], $0x40  }
0x5f: {  	[sflag:s15] =	ssyncset.done $0x0  }
0x60: {  	[sflag:s15] =	ssyncadd.s32 $0xFFFFFFC0  }
0x61: {  	v0 =	vld [tilespmem:$0x9D60]  }
0x62: {  	v1 =	vld [tilespmem:$0x9D70]  }
0x63: {  	v2 =	vld [tilespmem:$0x9D80]  }
0x64: {  	v3 =	vld [tilespmem:$0x9D90]  }
0x65: {  	v4 =	vld [tilespmem:$0x9DA0]  }
0x66: {  	v5 =	vld [tilespmem:$0x9DB0]  }
0x67: {  	v6 =	vld [tilespmem:$0x9DC0]  }
0x68: {  	v7 =	vld [tilespmem:$0x9DD0]  }
0x69: {  	v8 =	vld [tilespmem:$0x9DE0]  }
0x6a: {  	v9 =	vld [tilespmem:$0x9DF0]  }
0x6b: {  	v10 =	vld [tilespmem:$0x9E00]  }
0x6c: {  	v11 =	vld [tilespmem:$0x9E10]  }
0x6d: {  	v12 =	vld [tilespmem:$0x9E20]  }
0x6e: {  	v13 =	vld [tilespmem:$0x9E30]  }
0x6f: {  	v14 =	vld [tilespmem:$0x9E40]  }
0x70: {  	v15 =	vld [tilespmem:$0x9E50]  }
0x71: {  	v16 =	vld [tilespmem:$0xA160]  }
0x72: {  	v17 =	vld [tilespmem:$0x9E60]  }
0x73: {  	v18 =	vld [tilespmem:$0x9E70]  }
0x74: {  	v19 =	vld [tilespmem:$0x9E80]  }
0x75: {  	v20 =	vld [tilespmem:$0x9E90]  }
0x76: {  	v21 =	vld [tilespmem:$0x9EA0]  }
0x77: {  	v22 =	vld [tilespmem:$0x9EB0]  }
0x78: {  	v23 =	vld [tilespmem:$0x9EC0]  }
0x79: {  	v24 =	vld [tilespmem:$0x9ED0]  }
0x7a: {  	v25 =	vld [tilespmem:$0x9EE0]  }
0x7b: {  	v26 =	vld [tilespmem:$0x9EF0]  }
0x7c: {  	v27 =	vld [tilespmem:$0x9F00]  }
0x7d: {  	v28 =	vld [tilespmem:$0x9F10]  }
0x7e: {  	v29 =	vld [tilespmem:$0x9F20]  }
0x7f: {  	v30 =	vld [tilespmem:$0x9F30]  }
0x80: {  	v31 =	vld [tilespmem:$0x9F40]  }
0x81: {  	v32 =	vld [tilespmem:$0x9F50]  }
0x82: {  	v34 =	vld [tilespmem:$0x9F60]  }
0x83: {  	v35 =	vld [tilespmem:$0x9F70]  }
0x84: {  	v36 =	vld [tilespmem:$0x9F80]  }
0x85: {  	v37 =	vld [tilespmem:$0x9F90]  }
0x86: {  	v38 =	vld [tilespmem:$0x9FA0]  }
0x87: {  	v50 =	vld [tilespmem:$0x9FB0]  }
0x88: {  	v51 =	vld [tilespmem:$0x9FC0]  }
0x89: {  	v52 =	vld [tilespmem:$0x9FD0]  }
0x8a: {  	v53 =	vld [tilespmem:$0x9FE0]  }
0x8b: {  	v54 =	vld [tilespmem:$0x9FF0];
	v0 =	vsel vm0, v0, v1  }
0x8c: {  	v55 =	vld [tilespmem:$0xA000];
	v0 =	vsel vm1, v0, v2  }
0x8d: {  	v56 =	vld [tilespmem:$0xA010];
	v0 =	vsel vm2, v0, v3  }
0x8e: {  	v57 =	vld [tilespmem:$0xA020];
	v0 =	vsel vm3, v0, v4  }
0x8f: {  	v58 =	vld [tilespmem:$0xA030];
	v0 =	vsel vm4, v0, v5  }
0x90: {  	v59 =	vld [tilespmem:$0xA040];
	v0 =	vsel vm5, v0, v6  }
0x91: {  	v60 =	vld [tilespmem:$0xA060];
	v0 =	vsel vm6, v0, v7  }
0x92: {  	v61 =	vld [tilespmem:$0xA070];
	v0 =	vsel vm7, v0, v8  }
0x93: {  	v62 =	vld [tilespmem:$0xA080];
	v0 =	vsel vm8, v0, v9  }
0x94: {  	v39 =	vld [tilespmem:$0xA090];
	v0 =	vsel vm9, v0, v10  }
0x95: {  	v40 =	vld [tilespmem:$0xA0A0];
	v0 =	vsel vm10, v0, v11  }
0x96: {  	v43 =	vld [tilespmem:$0xA0B0];
	v16 =	vmul.f32 $9.900000090e-01, v16;
	v63 =	vsel vm0, v34, v35;
	v0 =	vsel vm11, v0, v12  }
0x97: {  	v44 =	vld [tilespmem:$0xA0C0];
	v17 =	vsel vm0, v17, v18;
	v42 =	vsel vm1, v63, v36;
	v0 =	vsel vm12, v0, v13  }
0x98: {  	v45 =	vld [tilespmem:$0xA0D0];
	v41 =	vsel vm1, v17, v19;
	v17 =	vsel vm2, v42, v37;
	v0 =	vsel vm13, v0, v14  }
0x99: {  	v46 =	vld [tilespmem:$0xA0E0];
	v17 =	vsel vm3, v17, v38;
	v13 =	vsel vm0, v60, v61;
	v0 =	vsel vm14, v0, v15  }
0x9a: {  	v48 =	vld [tilespmem:$0xA0F0];
	v1 =	vsel vm4, v17, v50;
	v13 =	vsel vm1, v13, v62;
	v0 =	vmul.f32 $9.999999770e-03, v0  }
0x9b: {  	v49 =	vld [tilespmem:$0xA100];
	v1 =	vsel vm5, v1, v51;
	v13 =	vsel vm2, v13, v39  }
0x9c: {  	v50 =	vld [tilespmem:$0xA110];
	v47 =	vsel vm3, v13, v40;
	v0 =	vadd.f32 v0, v16;
	v16 =	vsel vm2, v41, v20  }
0x9d: {  	v1 =	vsel vm6, v1, v52;
	v52 =	vld [tilespmem:$0xA120];
	v2 =	vsel vm4, v47, v43;
	v16 =	vsel vm3, v16, v21  }
0x9e: {  	v1 =	vsel vm7, v1, v53;
	v53 =	vld [tilespmem:$0xA130];
	v2 =	vsel vm5, v2, v44;
	v16 =	vsel vm4, v16, v22  }
0x9f: {  	v1 =	vsel vm8, v1, v54;
	v54 =	vld [tilespmem:$0xA140];
	v2 =	vsel vm6, v2, v45;
	v16 =	vsel vm5, v16, v23  }
0xa0: {  	v1 =	vsel vm9, v1, v55;
	v11 =	vld [tilespmem:$0xA050];
	v2 =	vsel vm7, v2, v46;
	v16 =	vsel vm6, v16, v24  }
0xa1: {  	v1 =	vsel vm10, v1, v56;
	v12 =	vld [tilespmem:$0xA180];
	v2 =	vsel vm8, v2, v48;
	v16 =	vsel vm7, v16, v25  }
0xa2: {  	v56 =	vld [tilespmem:$0xA150];
	v1 =	vsel vm11, v1, v57;
	v2 =	vsel vm9, v2, v49;
	v51 =	vsel vm8, v16, v26  }
0xa3: {  	v1 =	vsel vm12, v1, v58;
	v58 =	vld [tilespmem:$0xA190];
	v2 =	vsel vm10, v2, v50;
	v14 =	vsel vm9, v51, v27  }
0xa4: {  	v33 =	vld [tilespmem:$0xA170];
	v1 =	vsel vm13, v1, v59;
	v2 =	vsel vm11, v2, v52;
	v14 =	vsel vm10, v14, v28  }
0xa5: {  	v1 =	vsel vm14, v1, v11;
	v2 =	vsel vm12, v2, v53;
	v55 =	vsel vm11, v14, v29  }
0xa6: {  	v61 =	vmul.f32 $9.900000090e-01, v12;
	v2 =	vsel vm13, v2, v54;
	v57 =	vsel vm12, v55, v30  }
0xa7: {  	v1 =	vmul.f32 $9.999999770e-03, v1;
	v2 =	vsel vm14, v2, v56;
	v8 =	vsel vm13, v57, v31  }
0xa8: {  	v4 =	vmul.f32 $9.900000090e-01, v58;
	v2 =	vmul.f32 $9.999999770e-03, v2;
	v59 =	vsel vm14, v8, v32  }
0xa9: {  	v60 =	vmul.f32 $9.900000090e-01, v33;
	v62 =	vadd.f32 v1, v61;
	v5 =	vmul.f32 $9.999999770e-03, v59  }
0xaa: {  	[tilespmem:$0xA1A0] =	vst v0;
	v63 =	vadd.f32 v2, v4  }
0xab: {  	[tilespmem:$0xA1C0] =	vst v62;
	v5 =	vadd.f32 v5, v60  }
0xac: {  	[tilespmem:$0xA1D0] =	vst v63  }
.Ltmp3:
0xad: {  	[tilespmem:$0xA1B0] =	vst v5;
	(pc) =	sbr.rel .LBB2_3-.Ltmp3, $4  }
0xae: {  	[hbm4b:s12+s4] =	stream.linear.scatter [tilespmem:s2], [sflag:$0x2], $0x40, $0x38;
	[tilespmem:$0xA5E0] =	vst v63  }
0xaf: {  	_ =	swait.ge [sflag:s15], $0x40  }
0xb0: {  	[sflag:s15] =	ssyncset.done $0x0  }
0xb1: {  	[sflag:s15] =	ssyncadd.s32 $0xFFFFFFC0  }
.LBB2_4:
0xb2: {  	_ =	sfence.sel $0x180000  }
0xb3: {  	[bflag:$0x0] =	sbarrier.arrive $0xFFFF  }
0xb4: {  	_ =	strace $0x90000047  }
0xb5: {  	[bflag:$0x2] =	sbarrier.arrive $0xFFFF  }
0xb6: {  	p0 =	sne.s32 s0, $0x0;
	s0 =	rddreg [dreg:$0x6]  }
0xb7: {  	s0 =	sadd.s32 @!p0 $0x100000, s0  }
0xb8: {  	[sflag:s0] =	ssyncadd.tile.s32 @!p0 $0x1;
	_ =	shalt  }
.Lfunc_end2:
_tile_overlayer_lowered:
.L_overlay_start_2:
0xb9: {  	(tag) =	ssettag $0x2  }
0xba: {  	s0 =	rddreg [dreg:$0x0];
	s2 =	stileid.u32  }
0xbb: {  	s1 =	rddreg [dreg:$0x1];
	p0 =	sne.s32 s2, $0x0  }
0xbc: {  	s3 =	rddreg [dreg:$0x2];
	[bflag:$0x3] =	sbarrier.arrive $0xFFFF;
	s2 =	simm.s32 @!p0 $0x1C02  }
0xbd: {  	[timem:s3], [sflag:s2] =	dma.local @!p0 [hbm:s0], s1  }
0xbe: {  	s0 =	simm.s32 @!p0 $0x2  }
0xbf: {  	_ =	swait.ge @!p0 [sflag:s0], s1  }
0xc0: {  	s1 =	ssub.s32 @!p0 $0x0, s1;
	[sflag:s0] =	ssyncset.done @!p0 $0x0  }
0xc1: {  	[sflag:s0] =	ssyncadd.s32 @!p0 s1  }
0xc2: {  	[bflag:$0x3] =	sbarrier.arrive $0xFFFF  }
0xc3: {  	_ =	shalt  }

</sc_bundles>
